<compile_context>
chip_gen: v7x
topology: tpu7x:2x2x1
jax: 0.10.2.dev20260603
libtpu: 0.0.44.dev20260713+nightly
codegen_flags: <defaults>
</compile_context>

<pallas_src>
import math

import jax
import jax.numpy as jnp
from jax import lax
from jax.experimental import pallas as pl
from jax.experimental.pallas import tpu as pltpu
from jax.experimental.pallas import tpu_sc as plsc

N, C, H, W = 4, 256, 100, 352
HW = H * W
K = int(math.ceil(0.1 * HW))
BLK = 7040
NB = HW // BLK

NWORK = 32
CPW = (N * HW) // NWORK
NCHUNK16 = CPW // 16
CH = 64
IDXCAP = CPW + 2 * CH


def _scores_kernel(x_ref, w1_ref, b1_ref, w2_ref, b2_ref, dis_ref, s_ref,
                   z_ref):
    xm = x_ref[0]
    h = jax.lax.dot_general(xm, w1_ref[...], (((1,), (0,)), ((), ())))
    h = jnp.maximum(h + b1_ref[...], 0.0)
    logits = jax.lax.dot_general(w2_ref[...], h, (((0,), (1,)), ((), ())))
    score = jax.nn.sigmoid(logits + b2_ref[...])
    s_ref[0] = score * dis_ref[0]
    z_ref[0] = jnp.zeros((BLK, C), jnp.float32)


def _thresh_kernel(s_ref, t_ref):
    bits = jax.lax.bitcast_convert_type(s_ref[...], jnp.int32)
    lo0 = jnp.zeros((N, 1, 1), jnp.int32)
    hi0 = jnp.full((N, 1, 1), 0x7F800000, jnp.int32)

    def body(_, carry):
        lo, hi = carry
        mid = lo + (hi - lo) // 2
        cnt = jnp.sum((bits >= mid).astype(jnp.int32), axis=(1, 2),
                      keepdims=True)
        ge = cnt >= K
        return jnp.where(ge, mid, lo), jnp.where(ge, hi, mid)

    lo, _ = jax.lax.fori_loop(0, 31, body, (lo0, hi0))
    t_ref[...] = jax.lax.bitcast_convert_type(lo.reshape(N, 1), jnp.float32)


def _sc_scatter(x_hbm, s_hbm, t_hbm, out_hbm,
                s_v, t_v, idx_flat, sv_flat,
                idx_sa, sv_sa, rows_a, idx_sb, sv_sb, rows_b,
                sem_ga, sem_gb, sem_sa, sem_sb):
    wid = lax.axis_index("s") * 2 + lax.axis_index("c")
    base = wid * CPW
    agent = wid // (NWORK // N)

    pltpu.sync_copy(t_hbm, t_v)
    pltpu.sync_copy(s_hbm.at[pl.ds(base, CPW)], s_v)
    lanes = lax.iota(jnp.int32, 16)
    tv = t_v[...]
    a_spl = jnp.full((16,), agent, jnp.int32)
    t_spl = jnp.where(
        a_spl == 0, jnp.full((16,), tv[0], jnp.float32),
        jnp.where(a_spl == 1, jnp.full((16,), tv[1], jnp.float32),
                  jnp.where(a_spl == 2, jnp.full((16,), tv[2], jnp.float32),
                            jnp.full((16,), tv[3], jnp.float32))))

    def compact(j, off):
        sv = s_v[pl.ds(j * 16, 16)]
        m = sv >= t_spl
        ids = (base + j * 16) + lanes
        plsc.store_compressed(idx_flat.at[pl.ds(off, 16)], ids, mask=m)
        plsc.store_compressed(sv_flat.at[pl.ds(off, 16)], sv, mask=m)
        cnt = plsc.all_reduce_population_count(m)[0]
        return off + cnt

    cnt = lax.fori_loop(0, NCHUNK16, compact, jnp.int32(0))

    lastpos = jnp.maximum(cnt - 1, 0)
    last_i = jnp.full((16,), idx_flat[pl.ds(lastpos, 16)][0], jnp.int32)
    last_s = jnp.full((16,), sv_flat[pl.ds(lastpos, 16)][0], jnp.float32)
    for u in range(2 * CH // 16):
        idx_flat[pl.ds(cnt + u * 16, 16)] = last_i
        sv_flat[pl.ds(cnt + u * 16, 16)] = last_s

    npair = (cnt + (2 * CH - 1)) // (2 * CH)

    def stage(j, idx_s, sv_s):
        for u in range(CH // 16):
            idx_s[0, pl.ds(u * 16, 16)] = idx_flat[pl.ds(j * CH + u * 16, 16)]
            sv_s[pl.ds(u * 16, 16)] = sv_flat[pl.ds(j * CH + u * 16, 16)]

    def scale(rows, sv_s):
        def rowloop(r, _):
            spl = jnp.full((16,), sv_s[pl.ds(r, 16)][0], jnp.float32)
            for u in range(C // 16):
                rows[r, pl.ds(u * 16, 16)] = rows[r, pl.ds(u * 16, 16)] * spl
            return 0
        lax.fori_loop(0, CH, rowloop, 0)

    def pair(jj, _):
        j0 = 2 * jj
        stage(j0, idx_sa, sv_sa)
        ga = pltpu.async_copy(x_hbm.at[idx_sa.at[0]], rows_a, sem_ga)
        stage(j0 + 1, idx_sb, sv_sb)
        gb = pltpu.async_copy(x_hbm.at[idx_sb.at[0]], rows_b, sem_gb)
        ga.wait()
        scale(rows_a, sv_sa)
        sa = pltpu.async_copy(rows_a, out_hbm.at[idx_sa.at[0]], sem_sa)
        gb.wait()
        scale(rows_b, sv_sb)
        sb = pltpu.async_copy(rows_b, out_hbm.at[idx_sb.at[0]], sem_sb)
        sa.wait()
        sb.wait()
        return 0

    lax.fori_loop(0, npair, pair, 0)


def kernel(spatial_features_2d, dis_priority, w1, b1, w2, b2):
    xt = spatial_features_2d.transpose(0, 2, 3, 1).reshape(N, HW, C)
    dis = dis_priority.reshape(N, 1, HW)
    b1r = b1.reshape(1, C)
    b2r = b2.reshape(1, 1)

    scores, canvas = pl.pallas_call(
        _scores_kernel,
        grid=(N, NB),
        in_specs=[
            pl.BlockSpec((1, BLK, C), lambda n, b: (n, b, 0)),
            pl.BlockSpec((C, C), lambda n, b: (0, 0)),
            pl.BlockSpec((1, C), lambda n, b: (0, 0)),
            pl.BlockSpec((C, 1), lambda n, b: (0, 0)),
            pl.BlockSpec((1, 1), lambda n, b: (0, 0)),
            pl.BlockSpec((1, 1, BLK), lambda n, b: (n, 0, b)),
        ],
        out_specs=[
            pl.BlockSpec((1, 1, BLK), lambda n, b: (n, 0, b)),
            pl.BlockSpec((1, BLK, C), lambda n, b: (n, b, 0)),
        ],
        out_shape=[
            jax.ShapeDtypeStruct((N, 1, HW), jnp.float32),
            jax.ShapeDtypeStruct((N, HW, C), jnp.float32),
        ],
    )(xt, w1, b1r, w2, b2r, dis)

    thresh = pl.pallas_call(
        _thresh_kernel,
        out_shape=jax.ShapeDtypeStruct((N, 1), jnp.float32),
    )(scores)

    s_flat = scores.reshape(N * HW)
    t16 = jnp.pad(thresh.reshape(N), (0, 16 - N))
    x2 = xt.reshape(N * HW, C)
    canvas2 = canvas.reshape(N * HW, C)

    mesh = plsc.VectorSubcoreMesh(core_axis_name="c", subcore_axis_name="s")
    canvas_ref = jax.new_ref(canvas2)
    pl.kernel(
        _sc_scatter,
        mesh=mesh,
        out_type=(),
        compiler_params=pltpu.CompilerParams(needs_layout_passes=False),
        scratch_types=[
            pltpu.VMEM((CPW,), jnp.float32),
            pltpu.VMEM((16,), jnp.float32),
            pltpu.VMEM((IDXCAP,), jnp.int32),
            pltpu.VMEM((IDXCAP,), jnp.float32),
            pltpu.VMEM((1, CH), jnp.int32),
            pltpu.VMEM((CH + 16,), jnp.float32),
            pltpu.VMEM((CH, C), jnp.float32),
            pltpu.VMEM((1, CH), jnp.int32),
            pltpu.VMEM((CH + 16,), jnp.float32),
            pltpu.VMEM((CH, C), jnp.float32),
            pltpu.SemaphoreType.DMA,
            pltpu.SemaphoreType.DMA,
            pltpu.SemaphoreType.DMA,
            pltpu.SemaphoreType.DMA,
        ],
    )(x2, s_flat, t16, canvas_ref)

    out2 = canvas_ref[...]
    return out2.reshape(N, H, W, C).transpose(0, 3, 1, 2)

# --- scband reference (transcript-rebuilt; emitter-appended) ---
"""Pipeline reference for scband-point-pillar-ermvp-14697378087068 (READ-ONLY COPY).

The authoritative reference and input builder live on the scoring server;
editing this copy changes nothing except your own understanding.
"""

import jax, jax.numpy as jnp
import numpy as np
import math

TOPK_RATIO = 0.1

def setup_inputs(seed: int = 0) -> dict:
    key = jax.random.key(seed)
    k1, k2, k3 = jax.random.split(key, 3)
    N, C, H, W = 4, 256, 100, 352
    spatial_features_2d = jax.random.normal(k1, (N, C, H, W), dtype=jnp.float32)
    dis_priority = jnp.ones((N, H, W), dtype=jnp.float32)
    # SortSampler '2layer-fc-256' score prediction net (1x1 convs == per-cell MLP)
    w1 = jax.random.normal(k2, (C, 256), dtype=jnp.float32) * (1.0 / math.sqrt(C))
    b1 = jnp.zeros((256,), dtype=jnp.float32)
    w2 = jax.random.normal(k3, (256, 1), dtype=jnp.float32) * (1.0 / math.sqrt(256))
    b2 = jnp.zeros((1,), dtype=jnp.float32)
    return {"spatial_features_2d": spatial_features_2d, "dis_priority": dis_priority,
            "w1": w1, "b1": b1, "w2": w2, "b2": b2}


def reference(spatial_features_2d, dis_priority, w1, b1, w2, b2):
    # Core ERMVP communication path: SortSampler top-k confidence masking over BEV cells
    # followed by sparse reconstruction of the spatial feature map (scatter by kept indices).
    x = spatial_features_2d
    N, C, H, W = x.shape
    HW = H * W
    x_flat = jnp.transpose(x.reshape(N, C, HW), (0, 2, 1))  # [N, HW, C]
    # 2-layer fc score prediction net + sigmoid confidence
    h = jax.nn.relu(x_flat @ w1 + b1)
    score = jax.nn.sigmoid(h @ w2 + b2)[..., 0]              # [N, HW]
    score = score * dis_priority.reshape(N, HW)
    # top-k masking: keep topk_ratio of BEV cells per agent
    K = int(math.ceil(TOPK_RATIO * HW))
    sort_confidence_topk, topk_idx = jax.lax.top_k(score, K)  # [N, K]
    # gather kept features, modulated by their confidence (straight-through path)
    src = jnp.take_along_axis(x_flat, topk_idx[..., None], axis=1)  # [N, K, C]
    src = src * sort_confidence_topk[..., None]
    # sparse reconstruction: scatter selected tokens back to dense BEV canvas
    canvas = jnp.zeros((N, HW, C), dtype=x.dtype)
    canvas = jax.vmap(lambda cv, idx, s: cv.at[idx].set(s))(canvas, topk_idx, src)
    out = jnp.transpose(canvas, (0, 2, 1)).reshape(N, C, H, W)
    return out

if __name__ == "__main__":
    import jax
    _d = setup_inputs()
    print(jax.jit(kernel)(*tuple(_d.values())))

</pallas_src>

<mosaic_0001>
#map = affine_map<(d0, d1) -> (0, 0)>
#map1 = affine_map<(d0, d1) -> (0)>
module attributes {stable_mosaic.version = 14 : i64} {
  func.func @new_body(%arg0: i32, %arg1: i32, %arg2: memref<140800x256xf32, #tpu.memory_space<hbm>>, %arg3: memref<140800xf32, #tpu.memory_space<hbm>>, %arg4: memref<16xf32, #tpu.memory_space<hbm>>, %arg5: memref<140800x256xf32, #tpu.memory_space<hbm>>, %arg6: memref<140800x256xf32, #tpu.memory_space<hbm>>, %arg7: memref<4400xf32, #tpu.memory_space<vmem>>, %arg8: memref<16xf32, #tpu.memory_space<vmem>>, %arg9: memref<4528xi32, #tpu.memory_space<vmem>>, %arg10: memref<4528xf32, #tpu.memory_space<vmem>>, %arg11: memref<1x64xi32, #tpu.memory_space<vmem>>, %arg12: memref<80xf32, #tpu.memory_space<vmem>>, %arg13: memref<64x256xf32, #tpu.memory_space<vmem>>, %arg14: memref<1x64xi32, #tpu.memory_space<vmem>>, %arg15: memref<80xf32, #tpu.memory_space<vmem>>, %arg16: memref<64x256xf32, #tpu.memory_space<vmem>>, %arg17: memref<!tpu.dma_semaphore, #tpu.memory_space<semaphore_mem>>, %arg18: memref<!tpu.dma_semaphore, #tpu.memory_space<semaphore_mem>>, %arg19: memref<!tpu.dma_semaphore, #tpu.memory_space<semaphore_mem>>, %arg20: memref<!tpu.dma_semaphore, #tpu.memory_space<semaphore_mem>>) attributes {dimension_semantics = [#tpu.dimension_semantics<core_parallel>, #tpu.dimension_semantics<subcore_parallel>], iteration_bounds = array<i64: 2, 16>, scalar_prefetch = 0 : i64, scratch_operands = 14 : i64, tpu.core_type = #tpu.core_type<sc_vector_subcore>, window_params = [{transform_indices = #map}, {transform_indices = #map1}, {transform_indices = #map1}, {transform_indices = #map}, {transform_indices = #map}]} {
    %mul3A = arith.constant 2 : i32
    %mul3A_0 = arith.muli %arg1, %mul3A : i32
    %add3A = arith.addi %mul3A_0, %arg0 : i32
    %mul3A_1 = arith.constant 4400 : i32
    %mul3A_2 = arith.muli %add3A, %mul3A_1 : i32
    %jit3A = arith.constant 8 : i32
    %div3A = arith.divsi %add3A, %jit3A : i32
    %sign3A = arith.constant 0 : i32
    %sign3A_3 = arith.cmpi sgt, %add3A, %sign3A : i32
    %sign3A_4 = arith.extui %sign3A_3 : i1 to i32
    %sign3A_5 = arith.constant 0 : i32
    %sign3A_6 = arith.cmpi slt, %add3A, %sign3A_5 : i32
    %sign3A_7 = arith.extui %sign3A_6 : i1 to i32
    %sign3A_8 = arith.subi %sign3A_4, %sign3A_7 : i32
    %sign3A_9 = arith.constant 0 : i32
    %sign3A_10 = arith.cmpi sgt, %jit3A, %sign3A_9 : i32
    %sign3A_11 = arith.extui %sign3A_10 : i1 to i32
    %sign3A_12 = arith.constant 0 : i32
    %sign3A_13 = arith.cmpi slt, %jit3A, %sign3A_12 : i32
    %sign3A_14 = arith.extui %sign3A_13 : i1 to i32
    %sign3A_15 = arith.subi %sign3A_11, %sign3A_14 : i32
    %ne3A = arith.cmpi ne, %sign3A_8, %sign3A_15 : i32
    %rem3A = arith.remsi %add3A, %jit3A : i32
    %ne3A_16 = arith.constant 0 : i32
    %ne3A_17 = arith.cmpi ne, %rem3A, %ne3A_16 : i32
    %and3A = arith.andi %ne3A, %ne3A_17 : i1
    %sub3A = arith.constant 1 : i32
    %sub3A_18 = arith.subi %div3A, %sub3A : i32
    %select_n3A = arith.select %and3A, %sub3A_18, %div3A : i32
    "tpu.region"() ({
      %run_scoped3A = tpu.sem_alloc : memref<!tpu.dma_semaphore, #tpu.memory_space<semaphore_mem>>
      tpu.enqueue_dma source(%arg4 : memref<16xf32, #tpu.memory_space<hbm>>) target(%arg8 : memref<16xf32, #tpu.memory_space<vmem>>) target_semaphore(%run_scoped3A : memref<!tpu.dma_semaphore, #tpu.memory_space<semaphore_mem>>)
      tpu.wait_dma2 semaphore(%run_scoped3A : memref<!tpu.dma_semaphore, #tpu.memory_space<semaphore_mem>>) src(%arg4 : memref<16xf32, #tpu.memory_space<hbm>>) dst(%arg8 : memref<16xf32, #tpu.memory_space<vmem>>)
      tpu.yield
    }) : () -> ()
    "tpu.region"() ({
      %run_scoped3A = tpu.sem_alloc : memref<!tpu.dma_semaphore, #tpu.memory_space<semaphore_mem>>
      %dma_start3A = tpu.memref_slice %arg3[%mul3A_2] : memref<140800xf32, #tpu.memory_space<hbm>> -> memref<4400xf32, #tpu.memory_space<hbm>>
      %dma_start3A_160 = tpu.memref_slice %arg3[%mul3A_2] : memref<140800xf32, #tpu.memory_space<hbm>> -> memref<4400xf32, #tpu.memory_space<hbm>>
      tpu.enqueue_dma source(%dma_start3A_160 : memref<4400xf32, #tpu.memory_space<hbm>>) target(%arg7 : memref<4400xf32, #tpu.memory_space<vmem>>) target_semaphore(%run_scoped3A : memref<!tpu.dma_semaphore, #tpu.memory_space<semaphore_mem>>)
      %dma_wait3A = tpu.memref_slice %arg3[%mul3A_2] : memref<140800xf32, #tpu.memory_space<hbm>> -> memref<4400xf32, #tpu.memory_space<hbm>>
      %dma_wait3A_161 = tpu.memref_slice %arg3[%mul3A_2] : memref<140800xf32, #tpu.memory_space<hbm>> -> memref<4400xf32, #tpu.memory_space<hbm>>
      tpu.wait_dma2 semaphore(%run_scoped3A : memref<!tpu.dma_semaphore, #tpu.memory_space<semaphore_mem>>) src(%dma_wait3A_161 : memref<4400xf32, #tpu.memory_space<hbm>>) dst(%arg7 : memref<4400xf32, #tpu.memory_space<vmem>>)
      tpu.yield
    }) : () -> ()
    %iota3A = tpu.iota {dimensions = array<i32: 0>} : vector<16xi32>
    %get3A = arith.constant 0 : index
    %get3A_19 = tpu.vector_load %arg8[%get3A] {strides = array<i32>} : memref<16xf32, #tpu.memory_space<vmem>>, vector<16xf32>,
    %broadcast_in_dim3A = vector.broadcast %select_n3A : i32 to vector<16xi32>
    %eq3A = arith.constant 0 : i32
    %eq3A_20 = vector.broadcast %eq3A : i32 to vector<16xi32>
    %eq3A_21 = arith.cmpi eq, %broadcast_in_dim3A, %eq3A_20 : vector<16xi32>
    %slice3A = vector.extract_strided_slice %get3A_19 {offsets = [0], sizes = [1], strides = [1]} : vector<16xf32> to vector<1xf32>
    %squeeze3A = vector.extract %slice3A[0] : f32 from vector<1xf32>
    %broadcast_in_dim3A_22 = vector.broadcast %squeeze3A : f32 to vector<16xf32>
    %eq3A_23 = arith.constant 1 : i32
    %eq3A_24 = vector.broadcast %eq3A_23 : i32 to vector<16xi32>
    %eq3A_25 = arith.cmpi eq, %broadcast_in_dim3A, %eq3A_24 : vector<16xi32>
    %slice3A_26 = vector.extract_strided_slice %get3A_19 {offsets = [1], sizes = [1], strides = [1]} : vector<16xf32> to vector<1xf32>
    %squeeze3A_27 = vector.extract %slice3A_26[0] : f32 from vector<1xf32>
    %broadcast_in_dim3A_28 = vector.broadcast %squeeze3A_27 : f32 to vector<16xf32>
    %eq3A_29 = arith.constant 2 : i32
    %eq3A_30 = vector.broadcast %eq3A_29 : i32 to vector<16xi32>
    %eq3A_31 = arith.cmpi eq, %broadcast_in_dim3A, %eq3A_30 : vector<16xi32>
    %slice3A_32 = vector.extract_strided_slice %get3A_19 {offsets = [2], sizes = [1], strides = [1]} : vector<16xf32> to vector<1xf32>
    %squeeze3A_33 = vector.extract %slice3A_32[0] : f32 from vector<1xf32>
    %broadcast_in_dim3A_34 = vector.broadcast %squeeze3A_33 : f32 to vector<16xf32>
    %slice3A_35 = vector.extract_strided_slice %get3A_19 {offsets = [3], sizes = [1], strides = [1]} : vector<16xf32> to vector<1xf32>
    %squeeze3A_36 = vector.extract %slice3A_35[0] : f32 from vector<1xf32>
    %broadcast_in_dim3A_37 = vector.broadcast %squeeze3A_36 : f32 to vector<16xf32>
    %select_n3A_38 = arith.select %eq3A_31, %broadcast_in_dim3A_34, %broadcast_in_dim3A_37 : vector<16xi1>, vector<16xf32>
    %select_n3A_39 = arith.select %eq3A_25, %broadcast_in_dim3A_28, %select_n3A_38 : vector<16xi1>, vector<16xf32>
    %select_n3A_40 = arith.select %eq3A_21, %broadcast_in_dim3A_22, %select_n3A_39 : vector<16xi1>, vector<16xf32>
    %scan3A = arith.constant 0 : i32
    %scan3A_41 = arith.constant 0 : i32
    %scan3A_42 = arith.constant 275 : i32
    %scan3A_43 = arith.addi %scan3A_41, %scan3A_42 : i32
    %scan3A_44 = arith.constant 1 : i32
    %scan3A_45 = scf.for %scan3A_160 = %scan3A_41 to %scan3A_43 step %scan3A_44 iter_args(%scan3A_161 = %scan3A) -> (i32)  : i32 {
      %mul3A_162 = arith.constant 16 : i32
      %mul3A_163 = arith.muli %scan3A_160, %mul3A_162 : i32
      %get3A_164 = arith.index_cast %mul3A_163 : i32 to index
      %get3A_165 = tpu.vector_load %arg7[%get3A_164] {strides = array<i32>} : memref<4400xf32, #tpu.memory_space<vmem>>, vector<16xf32>,
      %ge3A = arith.cmpf oge, %get3A_165, %select_n3A_40 : vector<16xf32>
      %mul3A_166 = arith.constant 16 : i32
      %mul3A_167 = arith.muli %scan3A_160, %mul3A_166 : i32
      %add3A_168 = arith.addi %mul3A_2, %mul3A_167 : i32
      %add3A_169 = vector.broadcast %add3A_168 : i32 to vector<16xi32>
      %add3A_170 = arith.addi %add3A_169, %iota3A : vector<16xi32>
      %swap3A_171 = arith.index_cast %scan3A_161 : i32 to index
      %swap3A_172 = tpu.vector_load %arg9[%swap3A_171] masked %ge3A {strides = array<i32>} : memref<4528xi32, #tpu.memory_space<vmem>>, vector<16xi32>, vector<16xi1>
      tpu.vector_store %arg9[%swap3A_171], %add3A_170 masked %ge3A {strides = array<i32>} : memref<4528xi32, #tpu.memory_space<vmem>>, vector<16xi32>, vector<16xi1>
      %swap3A_173 = arith.index_cast %scan3A_161 : i32 to index
      %swap3A_174 = tpu.vector_load %arg10[%swap3A_173] masked %ge3A {strides = array<i32>} : memref<4528xf32, #tpu.memory_space<vmem>>, vector<16xf32>, vector<16xi1>
      tpu.vector_store %arg10[%swap3A_173], %get3A_165 masked %ge3A {strides = array<i32>} : memref<4528xf32, #tpu.memory_space<vmem>>, vector<16xf32>, vector<16xi1>
      %all_reduce_population_count3A = tpu.all_reduce %ge3A {dim = 0 : i64, kind = #tpu.reduction_kind<sum>} : vector<16xi1> -> vector<16xi32>
      %slice3A_175 = vector.extract_strided_slice %all_reduce_population_count3A {offsets = [0], sizes = [1], strides = [1]} : vector<16xi32> to vector<1xi32>
      %squeeze3A_176 = vector.extract %slice3A_175[0] : i32 from vector<1xi32>
      %add3A_177 = arith.addi %scan3A_161, %squeeze3A_176 : i32
      scf.yield %add3A_177 : i32
    }
    %scan3A_46 = arith.constant 275 : i32
    %sub3A_47 = arith.constant 1 : i32
    %sub3A_48 = arith.subi %scan3A_45, %sub3A_47 : i32
    %max3A = arith.constant 0 : i32
    %max3A_49 = arith.maxsi %sub3A_48, %max3A : i32
    %get3A_50 = arith.index_cast %max3A_49 : i32 to index
    %get3A_51 = tpu.vector_load %arg9[%get3A_50] {strides = array<i32>} : memref<4528xi32, #tpu.memory_space<vmem>>, vector<16xi32>,
    %slice3A_52 = vector.extract_strided_slice %get3A_51 {offsets = [0], sizes = [1], strides = [1]} : vector<16xi32> to vector<1xi32>
    %squeeze3A_53 = vector.extract %slice3A_52[0] : i32 from vector<1xi32>
    %broadcast_in_dim3A_54 = vector.broadcast %squeeze3A_53 : i32 to vector<16xi32>
    %get3A_55 = arith.index_cast %max3A_49 : i32 to index
    %get3A_56 = tpu.vector_load %arg10[%get3A_55] {strides = array<i32>} : memref<4528xf32, #tpu.memory_space<vmem>>, vector<16xf32>,
    %slice3A_57 = vector.extract_strided_slice %get3A_56 {offsets = [0], sizes = [1], strides = [1]} : vector<16xf32> to vector<1xf32>
    %squeeze3A_58 = vector.extract %slice3A_57[0] : f32 from vector<1xf32>
    %broadcast_in_dim3A_59 = vector.broadcast %squeeze3A_58 : f32 to vector<16xf32>
    %add3A_60 = arith.constant 0 : i32
    %add3A_61 = arith.addi %scan3A_45, %add3A_60 : i32
    %swap3A = arith.index_cast %add3A_61 : i32 to index
    %swap3A_62 = tpu.vector_load %arg9[%swap3A] {strides = array<i32>} : memref<4528xi32, #tpu.memory_space<vmem>>, vector<16xi32>,
    tpu.vector_store %arg9[%swap3A], %broadcast_in_dim3A_54 {strides = array<i32>} : memref<4528xi32, #tpu.memory_space<vmem>>, vector<16xi32>,
    %add3A_63 = arith.constant 0 : i32
    %add3A_64 = arith.addi %scan3A_45, %add3A_63 : i32
    %swap3A_65 = arith.index_cast %add3A_64 : i32 to index
    %swap3A_66 = tpu.vector_load %arg10[%swap3A_65] {strides = array<i32>} : memref<4528xf32, #tpu.memory_space<vmem>>, vector<16xf32>,
    tpu.vector_store %arg10[%swap3A_65], %broadcast_in_dim3A_59 {strides = array<i32>} : memref<4528xf32, #tpu.memory_space<vmem>>, vector<16xf32>,
    %add3A_67 = arith.constant 16 : i32
    %add3A_68 = arith.addi %scan3A_45, %add3A_67 : i32
    %swap3A_69 = arith.index_cast %add3A_68 : i32 to index
    %swap3A_70 = tpu.vector_load %arg9[%swap3A_69] {strides = array<i32>} : memref<4528xi32, #tpu.memory_space<vmem>>, vector<16xi32>,
    tpu.vector_store %arg9[%swap3A_69], %broadcast_in_dim3A_54 {strides = array<i32>} : memref<4528xi32, #tpu.memory_space<vmem>>, vector<16xi32>,
    %add3A_71 = arith.constant 16 : i32
    %add3A_72 = arith.addi %scan3A_45, %add3A_71 : i32
    %swap3A_73 = arith.index_cast %add3A_72 : i32 to index
    %swap3A_74 = tpu.vector_load %arg10[%swap3A_73] {strides = array<i32>} : memref<4528xf32, #tpu.memory_space<vmem>>, vector<16xf32>,
    tpu.vector_store %arg10[%swap3A_73], %broadcast_in_dim3A_59 {strides = array<i32>} : memref<4528xf32, #tpu.memory_space<vmem>>, vector<16xf32>,
    %add3A_75 = arith.constant 32 : i32
    %add3A_76 = arith.addi %scan3A_45, %add3A_75 : i32
    %swap3A_77 = arith.index_cast %add3A_76 : i32 to index
    %swap3A_78 = tpu.vector_load %arg9[%swap3A_77] {strides = array<i32>} : memref<4528xi32, #tpu.memory_space<vmem>>, vector<16xi32>,
    tpu.vector_store %arg9[%swap3A_77], %broadcast_in_dim3A_54 {strides = array<i32>} : memref<4528xi32, #tpu.memory_space<vmem>>, vector<16xi32>,
    %add3A_79 = arith.constant 32 : i32
    %add3A_80 = arith.addi %scan3A_45, %add3A_79 : i32
    %swap3A_81 = arith.index_cast %add3A_80 : i32 to index
    %swap3A_82 = tpu.vector_load %arg10[%swap3A_81] {strides = array<i32>} : memref<4528xf32, #tpu.memory_space<vmem>>, vector<16xf32>,
    tpu.vector_store %arg10[%swap3A_81], %broadcast_in_dim3A_59 {strides = array<i32>} : memref<4528xf32, #tpu.memory_space<vmem>>, vector<16xf32>,
    %add3A_83 = arith.constant 48 : i32
    %add3A_84 = arith.addi %scan3A_45, %add3A_83 : i32
    %swap3A_85 = arith.index_cast %add3A_84 : i32 to index
    %swap3A_86 = tpu.vector_load %arg9[%swap3A_85] {strides = array<i32>} : memref<4528xi32, #tpu.memory_space<vmem>>, vector<16xi32>,
    tpu.vector_store %arg9[%swap3A_85], %broadcast_in_dim3A_54 {strides = array<i32>} : memref<4528xi32, #tpu.memory_space<vmem>>, vector<16xi32>,
    %add3A_87 = arith.constant 48 : i32
    %add3A_88 = arith.addi %scan3A_45, %add3A_87 : i32
    %swap3A_89 = arith.index_cast %add3A_88 : i32 to index
    %swap3A_90 = tpu.vector_load %arg10[%swap3A_89] {strides = array<i32>} : memref<4528xf32, #tpu.memory_space<vmem>>, vector<16xf32>,
    tpu.vector_store %arg10[%swap3A_89], %broadcast_in_dim3A_59 {strides = array<i32>} : memref<4528xf32, #tpu.memory_space<vmem>>, vector<16xf32>,
    %add3A_91 = arith.constant 64 : i32
    %add3A_92 = arith.addi %scan3A_45, %add3A_91 : i32
    %swap3A_93 = arith.index_cast %add3A_92 : i32 to index
    %swap3A_94 = tpu.vector_load %arg9[%swap3A_93] {strides = array<i32>} : memref<4528xi32, #tpu.memory_space<vmem>>, vector<16xi32>,
    tpu.vector_store %arg9[%swap3A_93], %broadcast_in_dim3A_54 {strides = array<i32>} : memref<4528xi32, #tpu.memory_space<vmem>>, vector<16xi32>,
    %add3A_95 = arith.constant 64 : i32
    %add3A_96 = arith.addi %scan3A_45, %add3A_95 : i32
    %swap3A_97 = arith.index_cast %add3A_96 : i32 to index
    %swap3A_98 = tpu.vector_load %arg10[%swap3A_97] {strides = array<i32>} : memref<4528xf32, #tpu.memory_space<vmem>>, vector<16xf32>,
    tpu.vector_store %arg10[%swap3A_97], %broadcast_in_dim3A_59 {strides = array<i32>} : memref<4528xf32, #tpu.memory_space<vmem>>, vector<16xf32>,
    %add3A_99 = arith.constant 80 : i32
    %add3A_100 = arith.addi %scan3A_45, %add3A_99 : i32
    %swap3A_101 = arith.index_cast %add3A_100 : i32 to index
    %swap3A_102 = tpu.vector_load %arg9[%swap3A_101] {strides = array<i32>} : memref<4528xi32, #tpu.memory_space<vmem>>, vector<16xi32>,
    tpu.vector_store %arg9[%swap3A_101], %broadcast_in_dim3A_54 {strides = array<i32>} : memref<4528xi32, #tpu.memory_space<vmem>>, vector<16xi32>,
    %add3A_103 = arith.constant 80 : i32
    %add3A_104 = arith.addi %scan3A_45, %add3A_103 : i32
    %swap3A_105 = arith.index_cast %add3A_104 : i32 to index
    %swap3A_106 = tpu.vector_load %arg10[%swap3A_105] {strides = array<i32>} : memref<4528xf32, #tpu.memory_space<vmem>>, vector<16xf32>,
    tpu.vector_store %arg10[%swap3A_105], %broadcast_in_dim3A_59 {strides = array<i32>} : memref<4528xf32, #tpu.memory_space<vmem>>, vector<16xf32>,
    %add3A_107 = arith.constant 96 : i32
    %add3A_108 = arith.addi %scan3A_45, %add3A_107 : i32
    %swap3A_109 = arith.index_cast %add3A_108 : i32 to index
    %swap3A_110 = tpu.vector_load %arg9[%swap3A_109] {strides = array<i32>} : memref<4528xi32, #tpu.memory_space<vmem>>, vector<16xi32>,
    tpu.vector_store %arg9[%swap3A_109], %broadcast_in_dim3A_54 {strides = array<i32>} : memref<4528xi32, #tpu.memory_space<vmem>>, vector<16xi32>,
    %add3A_111 = arith.constant 96 : i32
    %add3A_112 = arith.addi %scan3A_45, %add3A_111 : i32
    %swap3A_113 = arith.index_cast %add3A_112 : i32 to index
    %swap3A_114 = tpu.vector_load %arg10[%swap3A_113] {strides = array<i32>} : memref<4528xf32, #tpu.memory_space<vmem>>, vector<16xf32>,
    tpu.vector_store %arg10[%swap3A_113], %broadcast_in_dim3A_59 {strides = array<i32>} : memref<4528xf32, #tpu.memory_space<vmem>>, vector<16xf32>,
    %add3A_115 = arith.constant 112 : i32
    %add3A_116 = arith.addi %scan3A_45, %add3A_115 : i32
    %swap3A_117 = arith.index_cast %add3A_116 : i32 to index
    %swap3A_118 = tpu.vector_load %arg9[%swap3A_117] {strides = array<i32>} : memref<4528xi32, #tpu.memory_space<vmem>>, vector<16xi32>,
    tpu.vector_store %arg9[%swap3A_117], %broadcast_in_dim3A_54 {strides = array<i32>} : memref<4528xi32, #tpu.memory_space<vmem>>, vector<16xi32>,
    %add3A_119 = arith.constant 112 : i32
    %add3A_120 = arith.addi %scan3A_45, %add3A_119 : i32
    %swap3A_121 = arith.index_cast %add3A_120 : i32 to index
    %swap3A_122 = tpu.vector_load %arg10[%swap3A_121] {strides = array<i32>} : memref<4528xf32, #tpu.memory_space<vmem>>, vector<16xf32>,
    tpu.vector_store %arg10[%swap3A_121], %broadcast_in_dim3A_59 {strides = array<i32>} : memref<4528xf32, #tpu.memory_space<vmem>>, vector<16xf32>,
    %add3A_123 = arith.constant 127 : i32
    %add3A_124 = arith.addi %scan3A_45, %add3A_123 : i32
    %jit3A_125 = arith.constant 128 : i32
    %div3A_126 = arith.divsi %add3A_124, %jit3A_125 : i32
    %sign3A_127 = arith.constant 0 : i32
    %sign3A_128 = arith.cmpi sgt, %add3A_124, %sign3A_127 : i32
    %sign3A_129 = arith.extui %sign3A_128 : i1 to i32
    %sign3A_130 = arith.constant 0 : i32
    %sign3A_131 = arith.cmpi slt, %add3A_124, %sign3A_130 : i32
    %sign3A_132 = arith.extui %sign3A_131 : i1 to i32
    %sign3A_133 = arith.subi %sign3A_129, %sign3A_132 : i32
    %sign3A_134 = arith.constant 0 : i32
    %sign3A_135 = arith.cmpi sgt, %jit3A_125, %sign3A_134 : i32
    %sign3A_136 = arith.extui %sign3A_135 : i1 to i32
    %sign3A_137 = arith.constant 0 : i32
    %sign3A_138 = arith.cmpi slt, %jit3A_125, %sign3A_137 : i32
    %sign3A_139 = arith.extui %sign3A_138 : i1 to i32
    %sign3A_140 = arith.subi %sign3A_136, %sign3A_139 : i32
    %ne3A_141 = arith.cmpi ne, %sign3A_133, %sign3A_140 : i32
    %rem3A_142 = arith.remsi %add3A_124, %jit3A_125 : i32
    %ne3A_143 = arith.constant 0 : i32
    %ne3A_144 = arith.cmpi ne, %rem3A_142, %ne3A_143 : i32
    %and3A_145 = arith.andi %ne3A_141, %ne3A_144 : i1
    %sub3A_146 = arith.constant 1 : i32
    %sub3A_147 = arith.subi %div3A_126, %sub3A_146 : i32
    %select_n3A_148 = arith.select %and3A_145, %sub3A_147, %div3A_126 : i32
    %while3A = arith.constant 0 : i32
    %while3A_149 = arith.constant 0 : i32
    %while3A_150 = arith.subi %select_n3A_148, %while3A : i32
    %while3A_151 = arith.addi %while3A, %while3A_150 : i32
    %while3A_152 = arith.constant 1 : i32
    %while3A_153 = arith.divsi %while3A_150, %while3A_152 : i32
    %while3A_154 = arith.muli %while3A_153, %while3A_152 : i32
    %while3A_155 = arith.addi %while3A, %while3A_154 : i32
    %while3A_156 = arith.constant 1 : i32
    %while3A_157 = scf.for %while3A_160 = %while3A to %while3A_155 step %while3A_156 iter_args(%while3A_161 = %while3A_149) -> (i32)  : i32 {
      %mul3A_162 = arith.constant 2 : i32
      %mul3A_163 = arith.muli %mul3A_162, %while3A_160 : i32
      %mul3A_164 = arith.constant 64 : i32
      %mul3A_165 = arith.muli %mul3A_163, %mul3A_164 : i32
      %add3A_166 = arith.constant 0 : i32
      %add3A_167 = arith.addi %mul3A_165, %add3A_166 : i32
      %get3A_168 = arith.index_cast %add3A_167 : i32 to index
      %get3A_169 = tpu.vector_load %arg9[%get3A_168] {strides = array<i32>} : memref<4528xi32, #tpu.memory_space<vmem>>, vector<16xi32>,
      %swap3A_170 = arith.constant 0 : i32
      %swap3A_171 = arith.index_cast %swap3A_170 : i32 to index
      %swap3A_172 = arith.constant 0 : index
      %swap3A_173 = tpu.vector_load %arg11[%swap3A_171, %swap3A_172] {strides = array<i32>} : memref<1x64xi32, #tpu.memory_space<vmem>>, vector<16xi32>,
      tpu.vector_store %arg11[%swap3A_171, %swap3A_172], %get3A_169 {strides = array<i32>} : memref<1x64xi32, #tpu.memory_space<vmem>>, vector<16xi32>,
      %mul3A_174 = arith.constant 64 : i32
      %mul3A_175 = arith.muli %mul3A_163, %mul3A_174 : i32
      %add3A_176 = arith.constant 0 : i32
      %add3A_177 = arith.addi %mul3A_175, %add3A_176 : i32
      %get3A_178 = arith.index_cast %add3A_177 : i32 to index
      %get3A_179 = tpu.vector_load %arg10[%get3A_178] {strides = array<i32>} : memref<4528xf32, #tpu.memory_space<vmem>>, vector<16xf32>,
      %swap3A_180 = arith.constant 0 : index
      %swap3A_181 = tpu.vector_load %arg12[%swap3A_180] {strides = array<i32>} : memref<80xf32, #tpu.memory_space<vmem>>, vector<16xf32>,
      tpu.vector_store %arg12[%swap3A_180], %get3A_179 {strides = array<i32>} : memref<80xf32, #tpu.memory_space<vmem>>, vector<16xf32>,
      %mul3A_182 = arith.constant 64 : i32
      %mul3A_183 = arith.muli %mul3A_163, %mul3A_182 : i32
      %add3A_184 = arith.constant 16 : i32
      %add3A_185 = arith.addi %mul3A_183, %add3A_184 : i32
      %get3A_186 = arith.index_cast %add3A_185 : i32 to index
      %get3A_187 = tpu.vector_load %arg9[%get3A_186] {strides = array<i32>} : memref<4528xi32, #tpu.memory_space<vmem>>, vector<16xi32>,
      %swap3A_188 = arith.constant 0 : i32
      %swap3A_189 = arith.index_cast %swap3A_188 : i32 to index
      %swap3A_190 = arith.constant 16 : index
      %swap3A_191 = tpu.vector_load %arg11[%swap3A_189, %swap3A_190] {strides = array<i32>} : memref<1x64xi32, #tpu.memory_space<vmem>>, vector<16xi32>,
      tpu.vector_store %arg11[%swap3A_189, %swap3A_190], %get3A_187 {strides = array<i32>} : memref<1x64xi32, #tpu.memory_space<vmem>>, vector<16xi32>,
      %mul3A_192 = arith.constant 64 : i32
      %mul3A_193 = arith.muli %mul3A_163, %mul3A_192 : i32
      %add3A_194 = arith.constant 16 : i32
      %add3A_195 = arith.addi %mul3A_193, %add3A_194 : i32
      %get3A_196 = arith.index_cast %add3A_195 : i32 to index
      %get3A_197 = tpu.vector_load %arg10[%get3A_196] {strides = array<i32>} : memref<4528xf32, #tpu.memory_space<vmem>>, vector<16xf32>,
      %swap3A_198 = arith.constant 16 : index
      %swap3A_199 = tpu.vector_load %arg12[%swap3A_198] {strides = array<i32>} : memref<80xf32, #tpu.memory_space<vmem>>, vector<16xf32>,
      tpu.vector_store %arg12[%swap3A_198], %get3A_197 {strides = array<i32>} : memref<80xf32, #tpu.memory_space<vmem>>, vector<16xf32>,
      %mul3A_200 = arith.constant 64 : i32
      %mul3A_201 = arith.muli %mul3A_163, %mul3A_200 : i32
      %add3A_202 = arith.constant 32 : i32
      %add3A_203 = arith.addi %mul3A_201, %add3A_202 : i32
      %get3A_204 = arith.index_cast %add3A_203 : i32 to index
      %get3A_205 = tpu.vector_load %arg9[%get3A_204] {strides = array<i32>} : memref<4528xi32, #tpu.memory_space<vmem>>, vector<16xi32>,
      %swap3A_206 = arith.constant 0 : i32
      %swap3A_207 = arith.index_cast %swap3A_206 : i32 to index
      %swap3A_208 = arith.constant 32 : index
      %swap3A_209 = tpu.vector_load %arg11[%swap3A_207, %swap3A_208] {strides = array<i32>} : memref<1x64xi32, #tpu.memory_space<vmem>>, vector<16xi32>,
      tpu.vector_store %arg11[%swap3A_207, %swap3A_208], %get3A_205 {strides = array<i32>} : memref<1x64xi32, #tpu.memory_space<vmem>>, vector<16xi32>,
      %mul3A_210 = arith.constant 64 : i32
      %mul3A_211 = arith.muli %mul3A_163, %mul3A_210 : i32
      %add3A_212 = arith.constant 32 : i32
      %add3A_213 = arith.addi %mul3A_211, %add3A_212 : i32
      %get3A_214 = arith.index_cast %add3A_213 : i32 to index
      %get3A_215 = tpu.vector_load %arg10[%get3A_214] {strides = array<i32>} : memref<4528xf32, #tpu.memory_space<vmem>>, vector<16xf32>,
      %swap3A_216 = arith.constant 32 : index
      %swap3A_217 = tpu.vector_load %arg12[%swap3A_216] {strides = array<i32>} : memref<80xf32, #tpu.memory_space<vmem>>, vector<16xf32>,
      tpu.vector_store %arg12[%swap3A_216], %get3A_215 {strides = array<i32>} : memref<80xf32, #tpu.memory_space<vmem>>, vector<16xf32>,
      %mul3A_218 = arith.constant 64 : i32
      %mul3A_219 = arith.muli %mul3A_163, %mul3A_218 : i32
      %add3A_220 = arith.constant 48 : i32
      %add3A_221 = arith.addi %mul3A_219, %add3A_220 : i32
      %get3A_222 = arith.index_cast %add3A_221 : i32 to index
      %get3A_223 = tpu.vector_load %arg9[%get3A_222] {strides = array<i32>} : memref<4528xi32, #tpu.memory_space<vmem>>, vector<16xi32>,
      %swap3A_224 = arith.constant 0 : i32
      %swap3A_225 = arith.index_cast %swap3A_224 : i32 to index
      %swap3A_226 = arith.constant 48 : index
      %swap3A_227 = tpu.vector_load %arg11[%swap3A_225, %swap3A_226] {strides = array<i32>} : memref<1x64xi32, #tpu.memory_space<vmem>>, vector<16xi32>,
      tpu.vector_store %arg11[%swap3A_225, %swap3A_226], %get3A_223 {strides = array<i32>} : memref<1x64xi32, #tpu.memory_space<vmem>>, vector<16xi32>,
      %mul3A_228 = arith.constant 64 : i32
      %mul3A_229 = arith.muli %mul3A_163, %mul3A_228 : i32
      %add3A_230 = arith.constant 48 : i32
      %add3A_231 = arith.addi %mul3A_229, %add3A_230 : i32
      %get3A_232 = arith.index_cast %add3A_231 : i32 to index
      %get3A_233 = tpu.vector_load %arg10[%get3A_232] {strides = array<i32>} : memref<4528xf32, #tpu.memory_space<vmem>>, vector<16xf32>,
      %swap3A_234 = arith.constant 48 : index
      %swap3A_235 = tpu.vector_load %arg12[%swap3A_234] {strides = array<i32>} : memref<80xf32, #tpu.memory_space<vmem>>, vector<16xf32>,
      tpu.vector_store %arg12[%swap3A_234], %get3A_233 {strides = array<i32>} : memref<80xf32, #tpu.memory_space<vmem>>, vector<16xf32>,
      %dma_start3A = arith.constant 0 : i32
      %dma_start3A_236 = arith.constant 0 : i32
      %dma_start3A_237 = tpu.memref_slice %arg11[%dma_start3A, %dma_start3A_236] : memref<1x64xi32, #tpu.memory_space<vmem>> -> memref<1x64xi32, #tpu.memory_space<vmem>>
      %dma_start3A_238 = tpu.memref_squeeze %dma_start3A_237 : memref<1x64xi32, #tpu.memory_space<vmem>> -> memref<64xi32, #tpu.memory_space<vmem>>
      %dma_start3A_239 = arith.constant 0 : i32
      %dma_start3A_240 = arith.constant 0 : i32
      %dma_start3A_241 = tpu.memref_slice %arg2[%dma_start3A_239, %dma_start3A_240] : memref<140800x256xf32, #tpu.memory_space<hbm>> -> memref<140800x256xf32, #tpu.memory_space<hbm>>
      tpu.enqueue_indirect_dma source(%dma_start3A_241 : memref<140800x256xf32, #tpu.memory_space<hbm>>) target(%arg13 : memref<64x256xf32, #tpu.memory_space<vmem>>) offsets(%dma_start3A_238 : memref<64xi32, #tpu.memory_space<vmem>>) semaphore(%arg17 : memref<!tpu.dma_semaphore, #tpu.memory_space<semaphore_mem>>)
      %add3A_242 = arith.constant 1 : i32
      %add3A_243 = arith.addi %mul3A_163, %add3A_242 : i32
      %mul3A_244 = arith.constant 64 : i32
      %mul3A_245 = arith.muli %add3A_243, %mul3A_244 : i32
      %add3A_246 = arith.constant 0 : i32
      %add3A_247 = arith.addi %mul3A_245, %add3A_246 : i32
      %get3A_248 = arith.index_cast %add3A_247 : i32 to index
      %get3A_249 = tpu.vector_load %arg9[%get3A_248] {strides = array<i32>} : memref<4528xi32, #tpu.memory_space<vmem>>, vector<16xi32>,
      %swap3A_250 = arith.constant 0 : i32
      %swap3A_251 = arith.index_cast %swap3A_250 : i32 to index
      %swap3A_252 = arith.constant 0 : index
      %swap3A_253 = tpu.vector_load %arg14[%swap3A_251, %swap3A_252] {strides = array<i32>} : memref<1x64xi32, #tpu.memory_space<vmem>>, vector<16xi32>,
      tpu.vector_store %arg14[%swap3A_251, %swap3A_252], %get3A_249 {strides = array<i32>} : memref<1x64xi32, #tpu.memory_space<vmem>>, vector<16xi32>,
      %mul3A_254 = arith.constant 64 : i32
      %mul3A_255 = arith.muli %add3A_243, %mul3A_254 : i32
      %add3A_256 = arith.constant 0 : i32
      %add3A_257 = arith.addi %mul3A_255, %add3A_256 : i32
      %get3A_258 = arith.index_cast %add3A_257 : i32 to index
      %get3A_259 = tpu.vector_load %arg10[%get3A_258] {strides = array<i32>} : memref<4528xf32, #tpu.memory_space<vmem>>, vector<16xf32>,
      %swap3A_260 = arith.constant 0 : index
      %swap3A_261 = tpu.vector_load %arg15[%swap3A_260] {strides = array<i32>} : memref<80xf32, #tpu.memory_space<vmem>>, vector<16xf32>,
      tpu.vector_store %arg15[%swap3A_260], %get3A_259 {strides = array<i32>} : memref<80xf32, #tpu.memory_space<vmem>>, vector<16xf32>,
      %mul3A_262 = arith.constant 64 : i32
      %mul3A_263 = arith.muli %add3A_243, %mul3A_262 : i32
      %add3A_264 = arith.constant 16 : i32
      %add3A_265 = arith.addi %mul3A_263, %add3A_264 : i32
      %get3A_266 = arith.index_cast %add3A_265 : i32 to index
      %get3A_267 = tpu.vector_load %arg9[%get3A_266] {strides = array<i32>} : memref<4528xi32, #tpu.memory_space<vmem>>, vector<16xi32>,
      %swap3A_268 = arith.constant 0 : i32
      %swap3A_269 = arith.index_cast %swap3A_268 : i32 to index
      %swap3A_270 = arith.constant 16 : index
      %swap3A_271 = tpu.vector_load %arg14[%swap3A_269, %swap3A_270] {strides = array<i32>} : memref<1x64xi32, #tpu.memory_space<vmem>>, vector<16xi32>,
      tpu.vector_store %arg14[%swap3A_269, %swap3A_270], %get3A_267 {strides = array<i32>} : memref<1x64xi32, #tpu.memory_space<vmem>>, vector<16xi32>,
      %mul3A_272 = arith.constant 64 : i32
      %mul3A_273 = arith.muli %add3A_243, %mul3A_272 : i32
      %add3A_274 = arith.constant 16 : i32
      %add3A_275 = arith.addi %mul3A_273, %add3A_274 : i32
      %get3A_276 = arith.index_cast %add3A_275 : i32 to index
      %get3A_277 = tpu.vector_load %arg10[%get3A_276] {strides = array<i32>} : memref<4528xf32, #tpu.memory_space<vmem>>, vector<16xf32>,
      %swap3A_278 = arith.constant 16 : index
      %swap3A_279 = tpu.vector_load %arg15[%swap3A_278] {strides = array<i32>} : memref<80xf32, #tpu.memory_space<vmem>>, vector<16xf32>,
      tpu.vector_store %arg15[%swap3A_278], %get3A_277 {strides = array<i32>} : memref<80xf32, #tpu.memory_space<vmem>>, vector<16xf32>,
      %mul3A_280 = arith.constant 64 : i32
      %mul3A_281 = arith.muli %add3A_243, %mul3A_280 : i32
      %add3A_282 = arith.constant 32 : i32
      %add3A_283 = arith.addi %mul3A_281, %add3A_282 : i32
      %get3A_284 = arith.index_cast %add3A_283 : i32 to index
      %get3A_285 = tpu.vector_load %arg9[%get3A_284] {strides = array<i32>} : memref<4528xi32, #tpu.memory_space<vmem>>, vector<16xi32>,
      %swap3A_286 = arith.constant 0 : i32
      %swap3A_287 = arith.index_cast %swap3A_286 : i32 to index
      %swap3A_288 = arith.constant 32 : index
      %swap3A_289 = tpu.vector_load %arg14[%swap3A_287, %swap3A_288] {strides = array<i32>} : memref<1x64xi32, #tpu.memory_space<vmem>>, vector<16xi32>,
      tpu.vector_store %arg14[%swap3A_287, %swap3A_288], %get3A_285 {strides = array<i32>} : memref<1x64xi32, #tpu.memory_space<vmem>>, vector<16xi32>,
      %mul3A_290 = arith.constant 64 : i32
      %mul3A_291 = arith.muli %add3A_243, %mul3A_290 : i32
      %add3A_292 = arith.constant 32 : i32
      %add3A_293 = arith.addi %mul3A_291, %add3A_292 : i32
      %get3A_294 = arith.index_cast %add3A_293 : i32 to index
      %get3A_295 = tpu.vector_load %arg10[%get3A_294] {strides = array<i32>} : memref<4528xf32, #tpu.memory_space<vmem>>, vector<16xf32>,
      %swap3A_296 = arith.constant 32 : index
      %swap3A_297 = tpu.vector_load %arg15[%swap3A_296] {strides = array<i32>} : memref<80xf32, #tpu.memory_space<vmem>>, vector<16xf32>,
      tpu.vector_store %arg15[%swap3A_296], %get3A_295 {strides = array<i32>} : memref<80xf32, #tpu.memory_space<vmem>>, vector<16xf32>,
      %mul3A_298 = arith.constant 64 : i32
      %mul3A_299 = arith.muli %add3A_243, %mul3A_298 : i32
      %add3A_300 = arith.constant 48 : i32
      %add3A_301 = arith.addi %mul3A_299, %add3A_300 : i32
      %get3A_302 = arith.index_cast %add3A_301 : i32 to index
      %get3A_303 = tpu.vector_load %arg9[%get3A_302] {strides = array<i32>} : memref<4528xi32, #tpu.memory_space<vmem>>, vector<16xi32>,
      %swap3A_304 = arith.constant 0 : i32
      %swap3A_305 = arith.index_cast %swap3A_304 : i32 to index
      %swap3A_306 = arith.constant 48 : index
      %swap3A_307 = tpu.vector_load %arg14[%swap3A_305, %swap3A_306] {strides = array<i32>} : memref<1x64xi32, #tpu.memory_space<vmem>>, vector<16xi32>,
      tpu.vector_store %arg14[%swap3A_305, %swap3A_306], %get3A_303 {strides = array<i32>} : memref<1x64xi32, #tpu.memory_space<vmem>>, vector<16xi32>,
      %mul3A_308 = arith.constant 64 : i32
      %mul3A_309 = arith.muli %add3A_243, %mul3A_308 : i32
      %add3A_310 = arith.constant 48 : i32
      %add3A_311 = arith.addi %mul3A_309, %add3A_310 : i32
      %get3A_312 = arith.index_cast %add3A_311 : i32 to index
      %get3A_313 = tpu.vector_load %arg10[%get3A_312] {strides = array<i32>} : memref<4528xf32, #tpu.memory_space<vmem>>, vector<16xf32>,
      %swap3A_314 = arith.constant 48 : index
      %swap3A_315 = tpu.vector_load %arg15[%swap3A_314] {strides = array<i32>} : memref<80xf32, #tpu.memory_space<vmem>>, vector<16xf32>,
      tpu.vector_store %arg15[%swap3A_314], %get3A_313 {strides = array<i32>} : memref<80xf32, #tpu.memory_space<vmem>>, vector<16xf32>,
      %dma_start3A_316 = arith.constant 0 : i32
      %dma_start3A_317 = arith.constant 0 : i32
      %dma_start3A_318 = tpu.memref_slice %arg14[%dma_start3A_316, %dma_start3A_317] : memref<1x64xi32, #tpu.memory_space<vmem>> -> memref<1x64xi32, #tpu.memory_space<vmem>>
      %dma_start3A_319 = tpu.memref_squeeze %dma_start3A_318 : memref<1x64xi32, #tpu.memory_space<vmem>> -> memref<64xi32, #tpu.memory_space<vmem>>
      %dma_start3A_320 = arith.constant 0 : i32
      %dma_start3A_321 = arith.constant 0 : i32
      %dma_start3A_322 = tpu.memref_slice %arg2[%dma_start3A_320, %dma_start3A_321] : memref<140800x256xf32, #tpu.memory_space<hbm>> -> memref<140800x256xf32, #tpu.memory_space<hbm>>
      tpu.enqueue_indirect_dma source(%dma_start3A_322 : memref<140800x256xf32, #tpu.memory_space<hbm>>) target(%arg16 : memref<64x256xf32, #tpu.memory_space<vmem>>) offsets(%dma_start3A_319 : memref<64xi32, #tpu.memory_space<vmem>>) semaphore(%arg18 : memref<!tpu.dma_semaphore, #tpu.memory_space<semaphore_mem>>)
      %dma_wait3A = arith.constant 0 : i32
      %dma_wait3A_323 = arith.constant 0 : i32
      %dma_wait3A_324 = tpu.memref_slice %arg11[%dma_wait3A, %dma_wait3A_323] : memref<1x64xi32, #tpu.memory_space<vmem>> -> memref<1x64xi32, #tpu.memory_space<vmem>>
      %dma_wait3A_325 = tpu.memref_squeeze %dma_wait3A_324 : memref<1x64xi32, #tpu.memory_space<vmem>> -> memref<64xi32, #tpu.memory_space<vmem>>
      %dma_wait3A_326 = arith.constant 0 : i32
      %dma_wait3A_327 = arith.constant 0 : i32
      %dma_wait3A_328 = tpu.memref_slice %arg2[%dma_wait3A_326, %dma_wait3A_327] : memref<140800x256xf32, #tpu.memory_space<hbm>> -> memref<140800x256xf32, #tpu.memory_space<hbm>>
      tpu.wait_indirect_dma semaphore(%arg17 : memref<!tpu.dma_semaphore, #tpu.memory_space<semaphore_mem>>) src(%dma_wait3A_328 : memref<140800x256xf32, #tpu.memory_space<hbm>>) dst(%arg13 : memref<64x256xf32, #tpu.memory_space<vmem>>)
      %scan3A_329 = arith.constant 0 : i32
      %scan3A_330 = arith.constant 0 : i32
      %scan3A_331 = arith.constant 64 : i32
      %scan3A_332 = arith.addi %scan3A_330, %scan3A_331 : i32
      %scan3A_333 = arith.constant 1 : i32
      %scan3A_334 = scf.for %scan3A_379 = %scan3A_330 to %scan3A_332 step %scan3A_333 iter_args(%scan3A_380 = %scan3A_329) -> (i32)  : i32 {
        %get3A_381 = arith.index_cast %scan3A_379 : i32 to index
        %get3A_382 = tpu.vector_load %arg12[%get3A_381] {strides = array<i32>} : memref<80xf32, #tpu.memory_space<vmem>>, vector<16xf32>,
        %slice3A_383 = vector.extract_strided_slice %get3A_382 {offsets = [0], sizes = [1], strides = [1]} : vector<16xf32> to vector<1xf32>
        %squeeze3A_384 = vector.extract %slice3A_383[0] : f32 from vector<1xf32>
        %broadcast_in_dim3A_385 = vector.broadcast %squeeze3A_384 : f32 to vector<16xf32>
        %get3A_386 = arith.index_cast %scan3A_379 : i32 to index
        %get3A_387 = arith.constant 0 : index
        %get3A_388 = tpu.vector_load %arg13[%get3A_386, %get3A_387] {strides = array<i32>} : memref<64x256xf32, #tpu.memory_space<vmem>>, vector<16xf32>,
        %mul3A_389 = arith.mulf %get3A_388, %broadcast_in_dim3A_385 : vector<16xf32>
        %swap3A_390 = arith.index_cast %scan3A_379 : i32 to index
        %swap3A_391 = arith.constant 0 : index
        %swap3A_392 = tpu.vector_load %arg13[%swap3A_390, %swap3A_391] {strides = array<i32>} : memref<64x256xf32, #tpu.memory_space<vmem>>, vector<16xf32>,
        tpu.vector_store %arg13[%swap3A_390, %swap3A_391], %mul3A_389 {strides = array<i32>} : memref<64x256xf32, #tpu.memory_space<vmem>>, vector<16xf32>,
        %get3A_393 = arith.index_cast %scan3A_379 : i32 to index
        %get3A_394 = arith.constant 16 : index
        %get3A_395 = tpu.vector_load %arg13[%get3A_393, %get3A_394] {strides = array<i32>} : memref<64x256xf32, #tpu.memory_space<vmem>>, vector<16xf32>,
        %mul3A_396 = arith.mulf %get3A_395, %broadcast_in_dim3A_385 : vector<16xf32>
        %swap3A_397 = arith.index_cast %scan3A_379 : i32 to index
        %swap3A_398 = arith.constant 16 : index
        %swap3A_399 = tpu.vector_load %arg13[%swap3A_397, %swap3A_398] {strides = array<i32>} : memref<64x256xf32, #tpu.memory_space<vmem>>, vector<16xf32>,
        tpu.vector_store %arg13[%swap3A_397, %swap3A_398], %mul3A_396 {strides = array<i32>} : memref<64x256xf32, #tpu.memory_space<vmem>>, vector<16xf32>,
        %get3A_400 = arith.index_cast %scan3A_379 : i32 to index
        %get3A_401 = arith.constant 32 : index
        %get3A_402 = tpu.vector_load %arg13[%get3A_400, %get3A_401] {strides = array<i32>} : memref<64x256xf32, #tpu.memory_space<vmem>>, vector<16xf32>,
        %mul3A_403 = arith.mulf %get3A_402, %broadcast_in_dim3A_385 : vector<16xf32>
        %swap3A_404 = arith.index_cast %scan3A_379 : i32 to index
        %swap3A_405 = arith.constant 32 : index
        %swap3A_406 = tpu.vector_load %arg13[%swap3A_404, %swap3A_405] {strides = array<i32>} : memref<64x256xf32, #tpu.memory_space<vmem>>, vector<16xf32>,
        tpu.vector_store %arg13[%swap3A_404, %swap3A_405], %mul3A_403 {strides = array<i32>} : memref<64x256xf32, #tpu.memory_space<vmem>>, vector<16xf32>,
        %get3A_407 = arith.index_cast %scan3A_379 : i32 to index
        %get3A_408 = arith.constant 48 : index
        %get3A_409 = tpu.vector_load %arg13[%get3A_407, %get3A_408] {strides = array<i32>} : memref<64x256xf32, #tpu.memory_space<vmem>>, vector<16xf32>,
        %mul3A_410 = arith.mulf %get3A_409, %broadcast_in_dim3A_385 : vector<16xf32>
        %swap3A_411 = arith.index_cast %scan3A_379 : i32 to index
        %swap3A_412 = arith.constant 48 : index
        %swap3A_413 = tpu.vector_load %arg13[%swap3A_411, %swap3A_412] {strides = array<i32>} : memref<64x256xf32, #tpu.memory_space<vmem>>, vector<16xf32>,
        tpu.vector_store %arg13[%swap3A_411, %swap3A_412], %mul3A_410 {strides = array<i32>} : memref<64x256xf32, #tpu.memory_space<vmem>>, vector<16xf32>,
        %get3A_414 = arith.index_cast %scan3A_379 : i32 to index
        %get3A_415 = arith.constant 64 : index
        %get3A_416 = tpu.vector_load %arg13[%get3A_414, %get3A_415] {strides = array<i32>} : memref<64x256xf32, #tpu.memory_space<vmem>>, vector<16xf32>,
        %mul3A_417 = arith.mulf %get3A_416, %broadcast_in_dim3A_385 : vector<16xf32>
        %swap3A_418 = arith.index_cast %scan3A_379 : i32 to index
        %swap3A_419 = arith.constant 64 : index
        %swap3A_420 = tpu.vector_load %arg13[%swap3A_418, %swap3A_419] {strides = array<i32>} : memref<64x256xf32, #tpu.memory_space<vmem>>, vector<16xf32>,
        tpu.vector_store %arg13[%swap3A_418, %swap3A_419], %mul3A_417 {strides = array<i32>} : memref<64x256xf32, #tpu.memory_space<vmem>>, vector<16xf32>,
        %get3A_421 = arith.index_cast %scan3A_379 : i32 to index
        %get3A_422 = arith.constant 80 : index
        %get3A_423 = tpu.vector_load %arg13[%get3A_421, %get3A_422] {strides = array<i32>} : memref<64x256xf32, #tpu.memory_space<vmem>>, vector<16xf32>,
        %mul3A_424 = arith.mulf %get3A_423, %broadcast_in_dim3A_385 : vector<16xf32>
        %swap3A_425 = arith.index_cast %scan3A_379 : i32 to index
        %swap3A_426 = arith.constant 80 : index
        %swap3A_427 = tpu.vector_load %arg13[%swap3A_425, %swap3A_426] {strides = array<i32>} : memref<64x256xf32, #tpu.memory_space<vmem>>, vector<16xf32>,
        tpu.vector_store %arg13[%swap3A_425, %swap3A_426], %mul3A_424 {strides = array<i32>} : memref<64x256xf32, #tpu.memory_space<vmem>>, vector<16xf32>,
        %get3A_428 = arith.index_cast %scan3A_379 : i32 to index
        %get3A_429 = arith.constant 96 : index
        %get3A_430 = tpu.vector_load %arg13[%get3A_428, %get3A_429] {strides = array<i32>} : memref<64x256xf32, #tpu.memory_space<vmem>>, vector<16xf32>,
        %mul3A_431 = arith.mulf %get3A_430, %broadcast_in_dim3A_385 : vector<16xf32>
        %swap3A_432 = arith.index_cast %scan3A_379 : i32 to index
        %swap3A_433 = arith.constant 96 : index
        %swap3A_434 = tpu.vector_load %arg13[%swap3A_432, %swap3A_433] {strides = array<i32>} : memref<64x256xf32, #tpu.memory_space<vmem>>, vector<16xf32>,
        tpu.vector_store %arg13[%swap3A_432, %swap3A_433], %mul3A_431 {strides = array<i32>} : memref<64x256xf32, #tpu.memory_space<vmem>>, vector<16xf32>,
        %get3A_435 = arith.index_cast %scan3A_379 : i32 to index
        %get3A_436 = arith.constant 112 : index
        %get3A_437 = tpu.vector_load %arg13[%get3A_435, %get3A_436] {strides = array<i32>} : memref<64x256xf32, #tpu.memory_space<vmem>>, vector<16xf32>,
        %mul3A_438 = arith.mulf %get3A_437, %broadcast_in_dim3A_385 : vector<16xf32>
        %swap3A_439 = arith.index_cast %scan3A_379 : i32 to index
        %swap3A_440 = arith.constant 112 : index
        %swap3A_441 = tpu.vector_load %arg13[%swap3A_439, %swap3A_440] {strides = array<i32>} : memref<64x256xf32, #tpu.memory_space<vmem>>, vector<16xf32>,
        tpu.vector_store %arg13[%swap3A_439, %swap3A_440], %mul3A_438 {strides = array<i32>} : memref<64x256xf32, #tpu.memory_space<vmem>>, vector<16xf32>,
        %get3A_442 = arith.index_cast %scan3A_379 : i32 to index
        %get3A_443 = arith.constant 128 : index
        %get3A_444 = tpu.vector_load %arg13[%get3A_442, %get3A_443] {strides = array<i32>} : memref<64x256xf32, #tpu.memory_space<vmem>>, vector<16xf32>,
        %mul3A_445 = arith.mulf %get3A_444, %broadcast_in_dim3A_385 : vector<16xf32>
        %swap3A_446 = arith.index_cast %scan3A_379 : i32 to index
        %swap3A_447 = arith.constant 128 : index
        %swap3A_448 = tpu.vector_load %arg13[%swap3A_446, %swap3A_447] {strides = array<i32>} : memref<64x256xf32, #tpu.memory_space<vmem>>, vector<16xf32>,
        tpu.vector_store %arg13[%swap3A_446, %swap3A_447], %mul3A_445 {strides = array<i32>} : memref<64x256xf32, #tpu.memory_space<vmem>>, vector<16xf32>,
        %get3A_449 = arith.index_cast %scan3A_379 : i32 to index
        %get3A_450 = arith.constant 144 : index
        %get3A_451 = tpu.vector_load %arg13[%get3A_449, %get3A_450] {strides = array<i32>} : memref<64x256xf32, #tpu.memory_space<vmem>>, vector<16xf32>,
        %mul3A_452 = arith.mulf %get3A_451, %broadcast_in_dim3A_385 : vector<16xf32>
        %swap3A_453 = arith.index_cast %scan3A_379 : i32 to index
        %swap3A_454 = arith.constant 144 : index
        %swap3A_455 = tpu.vector_load %arg13[%swap3A_453, %swap3A_454] {strides = array<i32>} : memref<64x256xf32, #tpu.memory_space<vmem>>, vector<16xf32>,
        tpu.vector_store %arg13[%swap3A_453, %swap3A_454], %mul3A_452 {strides = array<i32>} : memref<64x256xf32, #tpu.memory_space<vmem>>, vector<16xf32>,
        %get3A_456 = arith.index_cast %scan3A_379 : i32 to index
        %get3A_457 = arith.constant 160 : index
        %get3A_458 = tpu.vector_load %arg13[%get3A_456, %get3A_457] {strides = array<i32>} : memref<64x256xf32, #tpu.memory_space<vmem>>, vector<16xf32>,
        %mul3A_459 = arith.mulf %get3A_458, %broadcast_in_dim3A_385 : vector<16xf32>
        %swap3A_460 = arith.index_cast %scan3A_379 : i32 to index
        %swap3A_461 = arith.constant 160 : index
        %swap3A_462 = tpu.vector_load %arg13[%swap3A_460, %swap3A_461] {strides = array<i32>} : memref<64x256xf32, #tpu.memory_space<vmem>>, vector<16xf32>,
        tpu.vector_store %arg13[%swap3A_460, %swap3A_461], %mul3A_459 {strides = array<i32>} : memref<64x256xf32, #tpu.memory_space<vmem>>, vector<16xf32>,
        %get3A_463 = arith.index_cast %scan3A_379 : i32 to index
        %get3A_464 = arith.constant 176 : index
        %get3A_465 = tpu.vector_load %arg13[%get3A_463, %get3A_464] {strides = array<i32>} : memref<64x256xf32, #tpu.memory_space<vmem>>, vector<16xf32>,
        %mul3A_466 = arith.mulf %get3A_465, %broadcast_in_dim3A_385 : vector<16xf32>
        %swap3A_467 = arith.index_cast %scan3A_379 : i32 to index
        %swap3A_468 = arith.constant 176 : index
        %swap3A_469 = tpu.vector_load %arg13[%swap3A_467, %swap3A_468] {strides = array<i32>} : memref<64x256xf32, #tpu.memory_space<vmem>>, vector<16xf32>,
        tpu.vector_store %arg13[%swap3A_467, %swap3A_468], %mul3A_466 {strides = array<i32>} : memref<64x256xf32, #tpu.memory_space<vmem>>, vector<16xf32>,
        %get3A_470 = arith.index_cast %scan3A_379 : i32 to index
        %get3A_471 = arith.constant 192 : index
        %get3A_472 = tpu.vector_load %arg13[%get3A_470, %get3A_471] {strides = array<i32>} : memref<64x256xf32, #tpu.memory_space<vmem>>, vector<16xf32>,
        %mul3A_473 = arith.mulf %get3A_472, %broadcast_in_dim3A_385 : vector<16xf32>
        %swap3A_474 = arith.index_cast %scan3A_379 : i32 to index
        %swap3A_475 = arith.constant 192 : index
        %swap3A_476 = tpu.vector_load %arg13[%swap3A_474, %swap3A_475] {strides = array<i32>} : memref<64x256xf32, #tpu.memory_space<vmem>>, vector<16xf32>,
        tpu.vector_store %arg13[%swap3A_474, %swap3A_475], %mul3A_473 {strides = array<i32>} : memref<64x256xf32, #tpu.memory_space<vmem>>, vector<16xf32>,
        %get3A_477 = arith.index_cast %scan3A_379 : i32 to index
        %get3A_478 = arith.constant 208 : index
        %get3A_479 = tpu.vector_load %arg13[%get3A_477, %get3A_478] {strides = array<i32>} : memref<64x256xf32, #tpu.memory_space<vmem>>, vector<16xf32>,
        %mul3A_480 = arith.mulf %get3A_479, %broadcast_in_dim3A_385 : vector<16xf32>
        %swap3A_481 = arith.index_cast %scan3A_379 : i32 to index
        %swap3A_482 = arith.constant 208 : index
        %swap3A_483 = tpu.vector_load %arg13[%swap3A_481, %swap3A_482] {strides = array<i32>} : memref<64x256xf32, #tpu.memory_space<vmem>>, vector<16xf32>,
        tpu.vector_store %arg13[%swap3A_481, %swap3A_482], %mul3A_480 {strides = array<i32>} : memref<64x256xf32, #tpu.memory_space<vmem>>, vector<16xf32>,
        %get3A_484 = arith.index_cast %scan3A_379 : i32 to index
        %get3A_485 = arith.constant 224 : index
        %get3A_486 = tpu.vector_load %arg13[%get3A_484, %get3A_485] {strides = array<i32>} : memref<64x256xf32, #tpu.memory_space<vmem>>, vector<16xf32>,
        %mul3A_487 = arith.mulf %get3A_486, %broadcast_in_dim3A_385 : vector<16xf32>
        %swap3A_488 = arith.index_cast %scan3A_379 : i32 to index
        %swap3A_489 = arith.constant 224 : index
        %swap3A_490 = tpu.vector_load %arg13[%swap3A_488, %swap3A_489] {strides = array<i32>} : memref<64x256xf32, #tpu.memory_space<vmem>>, vector<16xf32>,
        tpu.vector_store %arg13[%swap3A_488, %swap3A_489], %mul3A_487 {strides = array<i32>} : memref<64x256xf32, #tpu.memory_space<vmem>>, vector<16xf32>,
        %get3A_491 = arith.index_cast %scan3A_379 : i32 to index
        %get3A_492 = arith.constant 240 : index
        %get3A_493 = tpu.vector_load %arg13[%get3A_491, %get3A_492] {strides = array<i32>} : memref<64x256xf32, #tpu.memory_space<vmem>>, vector<16xf32>,
        %mul3A_494 = arith.mulf %get3A_493, %broadcast_in_dim3A_385 : vector<16xf32>
        %swap3A_495 = arith.index_cast %scan3A_379 : i32 to index
        %swap3A_496 = arith.constant 240 : index
        %swap3A_497 = tpu.vector_load %arg13[%swap3A_495, %swap3A_496] {strides = array<i32>} : memref<64x256xf32, #tpu.memory_space<vmem>>, vector<16xf32>,
        tpu.vector_store %arg13[%swap3A_495, %swap3A_496], %mul3A_494 {strides = array<i32>} : memref<64x256xf32, #tpu.memory_space<vmem>>, vector<16xf32>,
        %scan3A_498 = arith.constant 0 : i32
        scf.yield %scan3A_498 : i32
      }
      %scan3A_335 = arith.constant 64 : i32
      %dma_start3A_336 = arith.constant 0 : i32
      %dma_start3A_337 = arith.constant 0 : i32
      %dma_start3A_338 = tpu.memref_slice %arg11[%dma_start3A_336, %dma_start3A_337] : memref<1x64xi32, #tpu.memory_space<vmem>> -> memref<1x64xi32, #tpu.memory_space<vmem>>
      %dma_start3A_339 = tpu.memref_squeeze %dma_start3A_338 : memref<1x64xi32, #tpu.memory_space<vmem>> -> memref<64xi32, #tpu.memory_space<vmem>>
      %dma_start3A_340 = arith.constant 0 : i32
      %dma_start3A_341 = arith.constant 0 : i32
      %dma_start3A_342 = tpu.memref_slice %arg5[%dma_start3A_340, %dma_start3A_341] : memref<140800x256xf32, #tpu.memory_space<hbm>> -> memref<140800x256xf32, #tpu.memory_space<hbm>>
      tpu.enqueue_indirect_dma source(%arg13 : memref<64x256xf32, #tpu.memory_space<vmem>>) target(%dma_start3A_342 : memref<140800x256xf32, #tpu.memory_space<hbm>>) offsets(%dma_start3A_339 : memref<64xi32, #tpu.memory_space<vmem>>) semaphore(%arg19 : memref<!tpu.dma_semaphore, #tpu.memory_space<semaphore_mem>>)
      %dma_wait3A_343 = arith.constant 0 : i32
      %dma_wait3A_344 = arith.constant 0 : i32
      %dma_wait3A_345 = tpu.memref_slice %arg14[%dma_wait3A_343, %dma_wait3A_344] : memref<1x64xi32, #tpu.memory_space<vmem>> -> memref<1x64xi32, #tpu.memory_space<vmem>>
      %dma_wait3A_346 = tpu.memref_squeeze %dma_wait3A_345 : memref<1x64xi32, #tpu.memory_space<vmem>> -> memref<64xi32, #tpu.memory_space<vmem>>
      %dma_wait3A_347 = arith.constant 0 : i32
      %dma_wait3A_348 = arith.constant 0 : i32
      %dma_wait3A_349 = tpu.memref_slice %arg2[%dma_wait3A_347, %dma_wait3A_348] : memref<140800x256xf32, #tpu.memory_space<hbm>> -> memref<140800x256xf32, #tpu.memory_space<hbm>>
      tpu.wait_indirect_dma semaphore(%arg18 : memref<!tpu.dma_semaphore, #tpu.memory_space<semaphore_mem>>) src(%dma_wait3A_349 : memref<140800x256xf32, #tpu.memory_space<hbm>>) dst(%arg16 : memref<64x256xf32, #tpu.memory_space<vmem>>)
      %scan3A_350 = arith.constant 0 : i32
      %scan3A_351 = arith.constant 0 : i32
      %scan3A_352 = arith.constant 64 : i32
      %scan3A_353 = arith.addi %scan3A_351, %scan3A_352 : i32
      %scan3A_354 = arith.constant 1 : i32
      %scan3A_355 = scf.for %scan3A_379 = %scan3A_351 to %scan3A_353 step %scan3A_354 iter_args(%scan3A_380 = %scan3A_350) -> (i32)  : i32 {
        %get3A_381 = arith.index_cast %scan3A_379 : i32 to index
        %get3A_382 = tpu.vector_load %arg15[%get3A_381] {strides = array<i32>} : memref<80xf32, #tpu.memory_space<vmem>>, vector<16xf32>,
        %slice3A_383 = vector.extract_strided_slice %get3A_382 {offsets = [0], sizes = [1], strides = [1]} : vector<16xf32> to vector<1xf32>
        %squeeze3A_384 = vector.extract %slice3A_383[0] : f32 from vector<1xf32>
        %broadcast_in_dim3A_385 = vector.broadcast %squeeze3A_384 : f32 to vector<16xf32>
        %get3A_386 = arith.index_cast %scan3A_379 : i32 to index
        %get3A_387 = arith.constant 0 : index
        %get3A_388 = tpu.vector_load %arg16[%get3A_386, %get3A_387] {strides = array<i32>} : memref<64x256xf32, #tpu.memory_space<vmem>>, vector<16xf32>,
        %mul3A_389 = arith.mulf %get3A_388, %broadcast_in_dim3A_385 : vector<16xf32>
        %swap3A_390 = arith.index_cast %scan3A_379 : i32 to index
        %swap3A_391 = arith.constant 0 : index
        %swap3A_392 = tpu.vector_load %arg16[%swap3A_390, %swap3A_391] {strides = array<i32>} : memref<64x256xf32, #tpu.memory_space<vmem>>, vector<16xf32>,
        tpu.vector_store %arg16[%swap3A_390, %swap3A_391], %mul3A_389 {strides = array<i32>} : memref<64x256xf32, #tpu.memory_space<vmem>>, vector<16xf32>,
        %get3A_393 = arith.index_cast %scan3A_379 : i32 to index
        %get3A_394 = arith.constant 16 : index
        %get3A_395 = tpu.vector_load %arg16[%get3A_393, %get3A_394] {strides = array<i32>} : memref<64x256xf32, #tpu.memory_space<vmem>>, vector<16xf32>,
        %mul3A_396 = arith.mulf %get3A_395, %broadcast_in_dim3A_385 : vector<16xf32>
        %swap3A_397 = arith.index_cast %scan3A_379 : i32 to index
        %swap3A_398 = arith.constant 16 : index
        %swap3A_399 = tpu.vector_load %arg16[%swap3A_397, %swap3A_398] {strides = array<i32>} : memref<64x256xf32, #tpu.memory_space<vmem>>, vector<16xf32>,
        tpu.vector_store %arg16[%swap3A_397, %swap3A_398], %mul3A_396 {strides = array<i32>} : memref<64x256xf32, #tpu.memory_space<vmem>>, vector<16xf32>,
        %get3A_400 = arith.index_cast %scan3A_379 : i32 to index
        %get3A_401 = arith.constant 32 : index
        %get3A_402 = tpu.vector_load %arg16[%get3A_400, %get3A_401] {strides = array<i32>} : memref<64x256xf32, #tpu.memory_space<vmem>>, vector<16xf32>,
        %mul3A_403 = arith.mulf %get3A_402, %broadcast_in_dim3A_385 : vector<16xf32>
        %swap3A_404 = arith.index_cast %scan3A_379 : i32 to index
        %swap3A_405 = arith.constant 32 : index
        %swap3A_406 = tpu.vector_load %arg16[%swap3A_404, %swap3A_405] {strides = array<i32>} : memref<64x256xf32, #tpu.memory_space<vmem>>, vector<16xf32>,
        tpu.vector_store %arg16[%swap3A_404, %swap3A_405], %mul3A_403 {strides = array<i32>} : memref<64x256xf32, #tpu.memory_space<vmem>>, vector<16xf32>,
        %get3A_407 = arith.index_cast %scan3A_379 : i32 to index
        %get3A_408 = arith.constant 48 : index
        %get3A_409 = tpu.vector_load %arg16[%get3A_407, %get3A_408] {strides = array<i32>} : memref<64x256xf32, #tpu.memory_space<vmem>>, vector<16xf32>,
        %mul3A_410 = arith.mulf %get3A_409, %broadcast_in_dim3A_385 : vector<16xf32>
        %swap3A_411 = arith.index_cast %scan3A_379 : i32 to index
        %swap3A_412 = arith.constant 48 : index
        %swap3A_413 = tpu.vector_load %arg16[%swap3A_411, %swap3A_412] {strides = array<i32>} : memref<64x256xf32, #tpu.memory_space<vmem>>, vector<16xf32>,
        tpu.vector_store %arg16[%swap3A_411, %swap3A_412], %mul3A_410 {strides = array<i32>} : memref<64x256xf32, #tpu.memory_space<vmem>>, vector<16xf32>,
        %get3A_414 = arith.index_cast %scan3A_379 : i32 to index
        %get3A_415 = arith.constant 64 : index
        %get3A_416 = tpu.vector_load %arg16[%get3A_414, %get3A_415] {strides = array<i32>} : memref<64x256xf32, #tpu.memory_space<vmem>>, vector<16xf32>,
        %mul3A_417 = arith.mulf %get3A_416, %broadcast_in_dim3A_385 : vector<16xf32>
        %swap3A_418 = arith.index_cast %scan3A_379 : i32 to index
        %swap3A_419 = arith.constant 64 : index
        %swap3A_420 = tpu.vector_load %arg16[%swap3A_418, %swap3A_419] {strides = array<i32>} : memref<64x256xf32, #tpu.memory_space<vmem>>, vector<16xf32>,
        tpu.vector_store %arg16[%swap3A_418, %swap3A_419], %mul3A_417 {strides = array<i32>} : memref<64x256xf32, #tpu.memory_space<vmem>>, vector<16xf32>,
        %get3A_421 = arith.index_cast %scan3A_379 : i32 to index
        %get3A_422 = arith.constant 80 : index
        %get3A_423 = tpu.vector_load %arg16[%get3A_421, %get3A_422] {strides = array<i32>} : memref<64x256xf32, #tpu.memory_space<vmem>>, vector<16xf32>,
        %mul3A_424 = arith.mulf %get3A_423, %broadcast_in_dim3A_385 : vector<16xf32>
        %swap3A_425 = arith.index_cast %scan3A_379 : i32 to index
        %swap3A_426 = arith.constant 80 : index
        %swap3A_427 = tpu.vector_load %arg16[%swap3A_425, %swap3A_426] {strides = array<i32>} : memref<64x256xf32, #tpu.memory_space<vmem>>, vector<16xf32>,
        tpu.vector_store %arg16[%swap3A_425, %swap3A_426], %mul3A_424 {strides = array<i32>} : memref<64x256xf32, #tpu.memory_space<vmem>>, vector<16xf32>,
        %get3A_428 = arith.index_cast %scan3A_379 : i32 to index
        %get3A_429 = arith.constant 96 : index
        %get3A_430 = tpu.vector_load %arg16[%get3A_428, %get3A_429] {strides = array<i32>} : memref<64x256xf32, #tpu.memory_space<vmem>>, vector<16xf32>,
        %mul3A_431 = arith.mulf %get3A_430, %broadcast_in_dim3A_385 : vector<16xf32>
        %swap3A_432 = arith.index_cast %scan3A_379 : i32 to index
        %swap3A_433 = arith.constant 96 : index
        %swap3A_434 = tpu.vector_load %arg16[%swap3A_432, %swap3A_433] {strides = array<i32>} : memref<64x256xf32, #tpu.memory_space<vmem>>, vector<16xf32>,
        tpu.vector_store %arg16[%swap3A_432, %swap3A_433], %mul3A_431 {strides = array<i32>} : memref<64x256xf32, #tpu.memory_space<vmem>>, vector<16xf32>,
        %get3A_435 = arith.index_cast %scan3A_379 : i32 to index
        %get3A_436 = arith.constant 112 : index
        %get3A_437 = tpu.vector_load %arg16[%get3A_435, %get3A_436] {strides = array<i32>} : memref<64x256xf32, #tpu.memory_space<vmem>>, vector<16xf32>,
        %mul3A_438 = arith.mulf %get3A_437, %broadcast_in_dim3A_385 : vector<16xf32>
        %swap3A_439 = arith.index_cast %scan3A_379 : i32 to index
        %swap3A_440 = arith.constant 112 : index
        %swap3A_441 = tpu.vector_load %arg16[%swap3A_439, %swap3A_440] {strides = array<i32>} : memref<64x256xf32, #tpu.memory_space<vmem>>, vector<16xf32>,
        tpu.vector_store %arg16[%swap3A_439, %swap3A_440], %mul3A_438 {strides = array<i32>} : memref<64x256xf32, #tpu.memory_space<vmem>>, vector<16xf32>,
        %get3A_442 = arith.index_cast %scan3A_379 : i32 to index
        %get3A_443 = arith.constant 128 : index
        %get3A_444 = tpu.vector_load %arg16[%get3A_442, %get3A_443] {strides = array<i32>} : memref<64x256xf32, #tpu.memory_space<vmem>>, vector<16xf32>,
        %mul3A_445 = arith.mulf %get3A_444, %broadcast_in_dim3A_385 : vector<16xf32>
        %swap3A_446 = arith.index_cast %scan3A_379 : i32 to index
        %swap3A_447 = arith.constant 128 : index
        %swap3A_448 = tpu.vector_load %arg16[%swap3A_446, %swap3A_447] {strides = array<i32>} : memref<64x256xf32, #tpu.memory_space<vmem>>, vector<16xf32>,
        tpu.vector_store %arg16[%swap3A_446, %swap3A_447], %mul3A_445 {strides = array<i32>} : memref<64x256xf32, #tpu.memory_space<vmem>>, vector<16xf32>,
        %get3A_449 = arith.index_cast %scan3A_379 : i32 to index
        %get3A_450 = arith.constant 144 : index
        %get3A_451 = tpu.vector_load %arg16[%get3A_449, %get3A_450] {strides = array<i32>} : memref<64x256xf32, #tpu.memory_space<vmem>>, vector<16xf32>,
        %mul3A_452 = arith.mulf %get3A_451, %broadcast_in_dim3A_385 : vector<16xf32>
        %swap3A_453 = arith.index_cast %scan3A_379 : i32 to index
        %swap3A_454 = arith.constant 144 : index
        %swap3A_455 = tpu.vector_load %arg16[%swap3A_453, %swap3A_454] {strides = array<i32>} : memref<64x256xf32, #tpu.memory_space<vmem>>, vector<16xf32>,
        tpu.vector_store %arg16[%swap3A_453, %swap3A_454], %mul3A_452 {strides = array<i32>} : memref<64x256xf32, #tpu.memory_space<vmem>>, vector<16xf32>,
        %get3A_456 = arith.index_cast %scan3A_379 : i32 to index
        %get3A_457 = arith.constant 160 : index
        %get3A_458 = tpu.vector_load %arg16[%get3A_456, %get3A_457] {strides = array<i32>} : memref<64x256xf32, #tpu.memory_space<vmem>>, vector<16xf32>,
        %mul3A_459 = arith.mulf %get3A_458, %broadcast_in_dim3A_385 : vector<16xf32>
        %swap3A_460 = arith.index_cast %scan3A_379 : i32 to index
        %swap3A_461 = arith.constant 160 : index
        %swap3A_462 = tpu.vector_load %arg16[%swap3A_460, %swap3A_461] {strides = array<i32>} : memref<64x256xf32, #tpu.memory_space<vmem>>, vector<16xf32>,
        tpu.vector_store %arg16[%swap3A_460, %swap3A_461], %mul3A_459 {strides = array<i32>} : memref<64x256xf32, #tpu.memory_space<vmem>>, vector<16xf32>,
        %get3A_463 = arith.index_cast %scan3A_379 : i32 to index
        %get3A_464 = arith.constant 176 : index
        %get3A_465 = tpu.vector_load %arg16[%get3A_463, %get3A_464] {strides = array<i32>} : memref<64x256xf32, #tpu.memory_space<vmem>>, vector<16xf32>,
        %mul3A_466 = arith.mulf %get3A_465, %broadcast_in_dim3A_385 : vector<16xf32>
        %swap3A_467 = arith.index_cast %scan3A_379 : i32 to index
        %swap3A_468 = arith.constant 176 : index
        %swap3A_469 = tpu.vector_load %arg16[%swap3A_467, %swap3A_468] {strides = array<i32>} : memref<64x256xf32, #tpu.memory_space<vmem>>, vector<16xf32>,
        tpu.vector_store %arg16[%swap3A_467, %swap3A_468], %mul3A_466 {strides = array<i32>} : memref<64x256xf32, #tpu.memory_space<vmem>>, vector<16xf32>,
        %get3A_470 = arith.index_cast %scan3A_379 : i32 to index
        %get3A_471 = arith.constant 192 : index
        %get3A_472 = tpu.vector_load %arg16[%get3A_470, %get3A_471] {strides = array<i32>} : memref<64x256xf32, #tpu.memory_space<vmem>>, vector<16xf32>,
        %mul3A_473 = arith.mulf %get3A_472, %broadcast_in_dim3A_385 : vector<16xf32>
        %swap3A_474 = arith.index_cast %scan3A_379 : i32 to index
        %swap3A_475 = arith.constant 192 : index
        %swap3A_476 = tpu.vector_load %arg16[%swap3A_474, %swap3A_475] {strides = array<i32>} : memref<64x256xf32, #tpu.memory_space<vmem>>, vector<16xf32>,
        tpu.vector_store %arg16[%swap3A_474, %swap3A_475], %mul3A_473 {strides = array<i32>} : memref<64x256xf32, #tpu.memory_space<vmem>>, vector<16xf32>,
        %get3A_477 = arith.index_cast %scan3A_379 : i32 to index
        %get3A_478 = arith.constant 208 : index
        %get3A_479 = tpu.vector_load %arg16[%get3A_477, %get3A_478] {strides = array<i32>} : memref<64x256xf32, #tpu.memory_space<vmem>>, vector<16xf32>,
        %mul3A_480 = arith.mulf %get3A_479, %broadcast_in_dim3A_385 : vector<16xf32>
        %swap3A_481 = arith.index_cast %scan3A_379 : i32 to index
        %swap3A_482 = arith.constant 208 : index
        %swap3A_483 = tpu.vector_load %arg16[%swap3A_481, %swap3A_482] {strides = array<i32>} : memref<64x256xf32, #tpu.memory_space<vmem>>, vector<16xf32>,
        tpu.vector_store %arg16[%swap3A_481, %swap3A_482], %mul3A_480 {strides = array<i32>} : memref<64x256xf32, #tpu.memory_space<vmem>>, vector<16xf32>,
        %get3A_484 = arith.index_cast %scan3A_379 : i32 to index
        %get3A_485 = arith.constant 224 : index
        %get3A_486 = tpu.vector_load %arg16[%get3A_484, %get3A_485] {strides = array<i32>} : memref<64x256xf32, #tpu.memory_space<vmem>>, vector<16xf32>,
        %mul3A_487 = arith.mulf %get3A_486, %broadcast_in_dim3A_385 : vector<16xf32>
        %swap3A_488 = arith.index_cast %scan3A_379 : i32 to index
        %swap3A_489 = arith.constant 224 : index
        %swap3A_490 = tpu.vector_load %arg16[%swap3A_488, %swap3A_489] {strides = array<i32>} : memref<64x256xf32, #tpu.memory_space<vmem>>, vector<16xf32>,
        tpu.vector_store %arg16[%swap3A_488, %swap3A_489], %mul3A_487 {strides = array<i32>} : memref<64x256xf32, #tpu.memory_space<vmem>>, vector<16xf32>,
        %get3A_491 = arith.index_cast %scan3A_379 : i32 to index
        %get3A_492 = arith.constant 240 : index
        %get3A_493 = tpu.vector_load %arg16[%get3A_491, %get3A_492] {strides = array<i32>} : memref<64x256xf32, #tpu.memory_space<vmem>>, vector<16xf32>,
        %mul3A_494 = arith.mulf %get3A_493, %broadcast_in_dim3A_385 : vector<16xf32>
        %swap3A_495 = arith.index_cast %scan3A_379 : i32 to index
        %swap3A_496 = arith.constant 240 : index
        %swap3A_497 = tpu.vector_load %arg16[%swap3A_495, %swap3A_496] {strides = array<i32>} : memref<64x256xf32, #tpu.memory_space<vmem>>, vector<16xf32>,
        tpu.vector_store %arg16[%swap3A_495, %swap3A_496], %mul3A_494 {strides = array<i32>} : memref<64x256xf32, #tpu.memory_space<vmem>>, vector<16xf32>,
        %scan3A_498 = arith.constant 0 : i32
        scf.yield %scan3A_498 : i32
      }
      %scan3A_356 = arith.constant 64 : i32
      %dma_start3A_357 = arith.constant 0 : i32
      %dma_start3A_358 = arith.constant 0 : i32
      %dma_start3A_359 = tpu.memref_slice %arg14[%dma_start3A_357, %dma_start3A_358] : memref<1x64xi32, #tpu.memory_space<vmem>> -> memref<1x64xi32, #tpu.memory_space<vmem>>
      %dma_start3A_360 = tpu.memref_squeeze %dma_start3A_359 : memref<1x64xi32, #tpu.memory_space<vmem>> -> memref<64xi32, #tpu.memory_space<vmem>>
      %dma_start3A_361 = arith.constant 0 : i32
      %dma_start3A_362 = arith.constant 0 : i32
      %dma_start3A_363 = tpu.memref_slice %arg5[%dma_start3A_361, %dma_start3A_362] : memref<140800x256xf32, #tpu.memory_space<hbm>> -> memref<140800x256xf32, #tpu.memory_space<hbm>>
      tpu.enqueue_indirect_dma source(%arg16 : memref<64x256xf32, #tpu.memory_space<vmem>>) target(%dma_start3A_363 : memref<140800x256xf32, #tpu.memory_space<hbm>>) offsets(%dma_start3A_360 : memref<64xi32, #tpu.memory_space<vmem>>) semaphore(%arg20 : memref<!tpu.dma_semaphore, #tpu.memory_space<semaphore_mem>>)
      %dma_wait3A_364 = arith.constant 0 : i32
      %dma_wait3A_365 = arith.constant 0 : i32
      %dma_wait3A_366 = tpu.memref_slice %arg11[%dma_wait3A_364, %dma_wait3A_365] : memref<1x64xi32, #tpu.memory_space<vmem>> -> memref<1x64xi32, #tpu.memory_space<vmem>>
      %dma_wait3A_367 = tpu.memref_squeeze %dma_wait3A_366 : memref<1x64xi32, #tpu.memory_space<vmem>> -> memref<64xi32, #tpu.memory_space<vmem>>
      %dma_wait3A_368 = arith.constant 0 : i32
      %dma_wait3A_369 = arith.constant 0 : i32
      %dma_wait3A_370 = tpu.memref_slice %arg5[%dma_wait3A_368, %dma_wait3A_369] : memref<140800x256xf32, #tpu.memory_space<hbm>> -> memref<140800x256xf32, #tpu.memory_space<hbm>>
      tpu.wait_indirect_dma semaphore(%arg19 : memref<!tpu.dma_semaphore, #tpu.memory_space<semaphore_mem>>) src(%arg13 : memref<64x256xf32, #tpu.memory_space<vmem>>) dst(%dma_wait3A_370 : memref<140800x256xf32, #tpu.memory_space<hbm>>)
      %dma_wait3A_371 = arith.constant 0 : i32
      %dma_wait3A_372 = arith.constant 0 : i32
      %dma_wait3A_373 = tpu.memref_slice %arg14[%dma_wait3A_371, %dma_wait3A_372] : memref<1x64xi32, #tpu.memory_space<vmem>> -> memref<1x64xi32, #tpu.memory_space<vmem>>
      %dma_wait3A_374 = tpu.memref_squeeze %dma_wait3A_373 : memref<1x64xi32, #tpu.memory_space<vmem>> -> memref<64xi32, #tpu.memory_space<vmem>>
      %dma_wait3A_375 = arith.constant 0 : i32
      %dma_wait3A_376 = arith.constant 0 : i32
      %dma_wait3A_377 = tpu.memref_slice %arg5[%dma_wait3A_375, %dma_wait3A_376] : memref<140800x256xf32, #tpu.memory_space<hbm>> -> memref<140800x256xf32, #tpu.memory_space<hbm>>
      tpu.wait_indirect_dma semaphore(%arg20 : memref<!tpu.dma_semaphore, #tpu.memory_space<semaphore_mem>>) src(%arg16 : memref<64x256xf32, #tpu.memory_space<vmem>>) dst(%dma_wait3A_377 : memref<140800x256xf32, #tpu.memory_space<hbm>>)
      %while3A_378 = arith.constant 0 : i32
      scf.yield %while3A_378 : i32
    }
    %while3A_158 = arith.constant 1 : i32
    %while3A_159 = scf.for %while3A_160 = %while3A_155 to %while3A_151 step %while3A_158 iter_args(%while3A_161 = %while3A_157) -> (i32)  : i32 {
      %mul3A_162 = arith.constant 2 : i32
      %mul3A_163 = arith.muli %mul3A_162, %while3A_160 : i32
      %mul3A_164 = arith.constant 64 : i32
      %mul3A_165 = arith.muli %mul3A_163, %mul3A_164 : i32
      %add3A_166 = arith.constant 0 : i32
      %add3A_167 = arith.addi %mul3A_165, %add3A_166 : i32
      %get3A_168 = arith.index_cast %add3A_167 : i32 to index
      %get3A_169 = tpu.vector_load %arg9[%get3A_168] {strides = array<i32>} : memref<4528xi32, #tpu.memory_space<vmem>>, vector<16xi32>,
      %swap3A_170 = arith.constant 0 : i32
      %swap3A_171 = arith.index_cast %swap3A_170 : i32 to index
      %swap3A_172 = arith.constant 0 : index
      %swap3A_173 = tpu.vector_load %arg11[%swap3A_171, %swap3A_172] {strides = array<i32>} : memref<1x64xi32, #tpu.memory_space<vmem>>, vector<16xi32>,
      tpu.vector_store %arg11[%swap3A_171, %swap3A_172], %get3A_169 {strides = array<i32>} : memref<1x64xi32, #tpu.memory_space<vmem>>, vector<16xi32>,
      %mul3A_174 = arith.constant 64 : i32
      %mul3A_175 = arith.muli %mul3A_163, %mul3A_174 : i32
      %add3A_176 = arith.constant 0 : i32
      %add3A_177 = arith.addi %mul3A_175, %add3A_176 : i32
      %get3A_178 = arith.index_cast %add3A_177 : i32 to index
      %get3A_179 = tpu.vector_load %arg10[%get3A_178] {strides = array<i32>} : memref<4528xf32, #tpu.memory_space<vmem>>, vector<16xf32>,
      %swap3A_180 = arith.constant 0 : index
      %swap3A_181 = tpu.vector_load %arg12[%swap3A_180] {strides = array<i32>} : memref<80xf32, #tpu.memory_space<vmem>>, vector<16xf32>,
      tpu.vector_store %arg12[%swap3A_180], %get3A_179 {strides = array<i32>} : memref<80xf32, #tpu.memory_space<vmem>>, vector<16xf32>,
      %mul3A_182 = arith.constant 64 : i32
      %mul3A_183 = arith.muli %mul3A_163, %mul3A_182 : i32
      %add3A_184 = arith.constant 16 : i32
      %add3A_185 = arith.addi %mul3A_183, %add3A_184 : i32
      %get3A_186 = arith.index_cast %add3A_185 : i32 to index
      %get3A_187 = tpu.vector_load %arg9[%get3A_186] {strides = array<i32>} : memref<4528xi32, #tpu.memory_space<vmem>>, vector<16xi32>,
      %swap3A_188 = arith.constant 0 : i32
      %swap3A_189 = arith.index_cast %swap3A_188 : i32 to index
      %swap3A_190 = arith.constant 16 : index
      %swap3A_191 = tpu.vector_load %arg11[%swap3A_189, %swap3A_190] {strides = array<i32>} : memref<1x64xi32, #tpu.memory_space<vmem>>, vector<16xi32>,
      tpu.vector_store %arg11[%swap3A_189, %swap3A_190], %get3A_187 {strides = array<i32>} : memref<1x64xi32, #tpu.memory_space<vmem>>, vector<16xi32>,
      %mul3A_192 = arith.constant 64 : i32
      %mul3A_193 = arith.muli %mul3A_163, %mul3A_192 : i32
      %add3A_194 = arith.constant 16 : i32
      %add3A_195 = arith.addi %mul3A_193, %add3A_194 : i32
      %get3A_196 = arith.index_cast %add3A_195 : i32 to index
      %get3A_197 = tpu.vector_load %arg10[%get3A_196] {strides = array<i32>} : memref<4528xf32, #tpu.memory_space<vmem>>, vector<16xf32>,
      %swap3A_198 = arith.constant 16 : index
      %swap3A_199 = tpu.vector_load %arg12[%swap3A_198] {strides = array<i32>} : memref<80xf32, #tpu.memory_space<vmem>>, vector<16xf32>,
      tpu.vector_store %arg12[%swap3A_198], %get3A_197 {strides = array<i32>} : memref<80xf32, #tpu.memory_space<vmem>>, vector<16xf32>,
      %mul3A_200 = arith.constant 64 : i32
      %mul3A_201 = arith.muli %mul3A_163, %mul3A_200 : i32
      %add3A_202 = arith.constant 32 : i32
      %add3A_203 = arith.addi %mul3A_201, %add3A_202 : i32
      %get3A_204 = arith.index_cast %add3A_203 : i32 to index
      %get3A_205 = tpu.vector_load %arg9[%get3A_204] {strides = array<i32>} : memref<4528xi32, #tpu.memory_space<vmem>>, vector<16xi32>,
      %swap3A_206 = arith.constant 0 : i32
      %swap3A_207 = arith.index_cast %swap3A_206 : i32 to index
      %swap3A_208 = arith.constant 32 : index
      %swap3A_209 = tpu.vector_load %arg11[%swap3A_207, %swap3A_208] {strides = array<i32>} : memref<1x64xi32, #tpu.memory_space<vmem>>, vector<16xi32>,
      tpu.vector_store %arg11[%swap3A_207, %swap3A_208], %get3A_205 {strides = array<i32>} : memref<1x64xi32, #tpu.memory_space<vmem>>, vector<16xi32>,
      %mul3A_210 = arith.constant 64 : i32
      %mul3A_211 = arith.muli %mul3A_163, %mul3A_210 : i32
      %add3A_212 = arith.constant 32 : i32
      %add3A_213 = arith.addi %mul3A_211, %add3A_212 : i32
      %get3A_214 = arith.index_cast %add3A_213 : i32 to index
      %get3A_215 = tpu.vector_load %arg10[%get3A_214] {strides = array<i32>} : memref<4528xf32, #tpu.memory_space<vmem>>, vector<16xf32>,
      %swap3A_216 = arith.constant 32 : index
      %swap3A_217 = tpu.vector_load %arg12[%swap3A_216] {strides = array<i32>} : memref<80xf32, #tpu.memory_space<vmem>>, vector<16xf32>,
      tpu.vector_store %arg12[%swap3A_216], %get3A_215 {strides = array<i32>} : memref<80xf32, #tpu.memory_space<vmem>>, vector<16xf32>,
      %mul3A_218 = arith.constant 64 : i32
      %mul3A_219 = arith.muli %mul3A_163, %mul3A_218 : i32
      %add3A_220 = arith.constant 48 : i32
      %add3A_221 = arith.addi %mul3A_219, %add3A_220 : i32
      %get3A_222 = arith.index_cast %add3A_221 : i32 to index
      %get3A_223 = tpu.vector_load %arg9[%get3A_222] {strides = array<i32>} : memref<4528xi32, #tpu.memory_space<vmem>>, vector<16xi32>,
      %swap3A_224 = arith.constant 0 : i32
      %swap3A_225 = arith.index_cast %swap3A_224 : i32 to index
      %swap3A_226 = arith.constant 48 : index
      %swap3A_227 = tpu.vector_load %arg11[%swap3A_225, %swap3A_226] {strides = array<i32>} : memref<1x64xi32, #tpu.memory_space<vmem>>, vector<16xi32>,
      tpu.vector_store %arg11[%swap3A_225, %swap3A_226], %get3A_223 {strides = array<i32>} : memref<1x64xi32, #tpu.memory_space<vmem>>, vector<16xi32>,
      %mul3A_228 = arith.constant 64 : i32
      %mul3A_229 = arith.muli %mul3A_163, %mul3A_228 : i32
      %add3A_230 = arith.constant 48 : i32
      %add3A_231 = arith.addi %mul3A_229, %add3A_230 : i32
      %get3A_232 = arith.index_cast %add3A_231 : i32 to index
      %get3A_233 = tpu.vector_load %arg10[%get3A_232] {strides = array<i32>} : memref<4528xf32, #tpu.memory_space<vmem>>, vector<16xf32>,
      %swap3A_234 = arith.constant 48 : index
      %swap3A_235 = tpu.vector_load %arg12[%swap3A_234] {strides = array<i32>} : memref<80xf32, #tpu.memory_space<vmem>>, vector<16xf32>,
      tpu.vector_store %arg12[%swap3A_234], %get3A_233 {strides = array<i32>} : memref<80xf32, #tpu.memory_space<vmem>>, vector<16xf32>,
      %dma_start3A = arith.constant 0 : i32
      %dma_start3A_236 = arith.constant 0 : i32
      %dma_start3A_237 = tpu.memref_slice %arg11[%dma_start3A, %dma_start3A_236] : memref<1x64xi32, #tpu.memory_space<vmem>> -> memref<1x64xi32, #tpu.memory_space<vmem>>
      %dma_start3A_238 = tpu.memref_squeeze %dma_start3A_237 : memref<1x64xi32, #tpu.memory_space<vmem>> -> memref<64xi32, #tpu.memory_space<vmem>>
      %dma_start3A_239 = arith.constant 0 : i32
      %dma_start3A_240 = arith.constant 0 : i32
      %dma_start3A_241 = tpu.memref_slice %arg2[%dma_start3A_239, %dma_start3A_240] : memref<140800x256xf32, #tpu.memory_space<hbm>> -> memref<140800x256xf32, #tpu.memory_space<hbm>>
      tpu.enqueue_indirect_dma source(%dma_start3A_241 : memref<140800x256xf32, #tpu.memory_space<hbm>>) target(%arg13 : memref<64x256xf32, #tpu.memory_space<vmem>>) offsets(%dma_start3A_238 : memref<64xi32, #tpu.memory_space<vmem>>) semaphore(%arg17 : memref<!tpu.dma_semaphore, #tpu.memory_space<semaphore_mem>>)
      %add3A_242 = arith.constant 1 : i32
      %add3A_243 = arith.addi %mul3A_163, %add3A_242 : i32
      %mul3A_244 = arith.constant 64 : i32
      %mul3A_245 = arith.muli %add3A_243, %mul3A_244 : i32
      %add3A_246 = arith.constant 0 : i32
      %add3A_247 = arith.addi %mul3A_245, %add3A_246 : i32
      %get3A_248 = arith.index_cast %add3A_247 : i32 to index
      %get3A_249 = tpu.vector_load %arg9[%get3A_248] {strides = array<i32>} : memref<4528xi32, #tpu.memory_space<vmem>>, vector<16xi32>,
      %swap3A_250 = arith.constant 0 : i32
      %swap3A_251 = arith.index_cast %swap3A_250 : i32 to index
      %swap3A_252 = arith.constant 0 : index
      %swap3A_253 = tpu.vector_load %arg14[%swap3A_251, %swap3A_252] {strides = array<i32>} : memref<1x64xi32, #tpu.memory_space<vmem>>, vector<16xi32>,
      tpu.vector_store %arg14[%swap3A_251, %swap3A_252], %get3A_249 {strides = array<i32>} : memref<1x64xi32, #tpu.memory_space<vmem>>, vector<16xi32>,
      %mul3A_254 = arith.constant 64 : i32
      %mul3A_255 = arith.muli %add3A_243, %mul3A_254 : i32
      %add3A_256 = arith.constant 0 : i32
      %add3A_257 = arith.addi %mul3A_255, %add3A_256 : i32
      %get3A_258 = arith.index_cast %add3A_257 : i32 to index
      %get3A_259 = tpu.vector_load %arg10[%get3A_258] {strides = array<i32>} : memref<4528xf32, #tpu.memory_space<vmem>>, vector<16xf32>,
      %swap3A_260 = arith.constant 0 : index
      %swap3A_261 = tpu.vector_load %arg15[%swap3A_260] {strides = array<i32>} : memref<80xf32, #tpu.memory_space<vmem>>, vector<16xf32>,
      tpu.vector_store %arg15[%swap3A_260], %get3A_259 {strides = array<i32>} : memref<80xf32, #tpu.memory_space<vmem>>, vector<16xf32>,
      %mul3A_262 = arith.constant 64 : i32
      %mul3A_263 = arith.muli %add3A_243, %mul3A_262 : i32
      %add3A_264 = arith.constant 16 : i32
      %add3A_265 = arith.addi %mul3A_263, %add3A_264 : i32
      %get3A_266 = arith.index_cast %add3A_265 : i32 to index
      %get3A_267 = tpu.vector_load %arg9[%get3A_266] {strides = array<i32>} : memref<4528xi32, #tpu.memory_space<vmem>>, vector<16xi32>,
      %swap3A_268 = arith.constant 0 : i32
      %swap3A_269 = arith.index_cast %swap3A_268 : i32 to index
      %swap3A_270 = arith.constant 16 : index
      %swap3A_271 = tpu.vector_load %arg14[%swap3A_269, %swap3A_270] {strides = array<i32>} : memref<1x64xi32, #tpu.memory_space<vmem>>, vector<16xi32>,
      tpu.vector_store %arg14[%swap3A_269, %swap3A_270], %get3A_267 {strides = array<i32>} : memref<1x64xi32, #tpu.memory_space<vmem>>, vector<16xi32>,
      %mul3A_272 = arith.constant 64 : i32
      %mul3A_273 = arith.muli %add3A_243, %mul3A_272 : i32
      %add3A_274 = arith.constant 16 : i32
      %add3A_275 = arith.addi %mul3A_273, %add3A_274 : i32
      %get3A_276 = arith.index_cast %add3A_275 : i32 to index
      %get3A_277 = tpu.vector_load %arg10[%get3A_276] {strides = array<i32>} : memref<4528xf32, #tpu.memory_space<vmem>>, vector<16xf32>,
      %swap3A_278 = arith.constant 16 : index
      %swap3A_279 = tpu.vector_load %arg15[%swap3A_278] {strides = array<i32>} : memref<80xf32, #tpu.memory_space<vmem>>, vector<16xf32>,
      tpu.vector_store %arg15[%swap3A_278], %get3A_277 {strides = array<i32>} : memref<80xf32, #tpu.memory_space<vmem>>, vector<16xf32>,
      %mul3A_280 = arith.constant 64 : i32
      %mul3A_281 = arith.muli %add3A_243, %mul3A_280 : i32
      %add3A_282 = arith.constant 32 : i32
      %add3A_283 = arith.addi %mul3A_281, %add3A_282 : i32
      %get3A_284 = arith.index_cast %add3A_283 : i32 to index
      %get3A_285 = tpu.vector_load %arg9[%get3A_284] {strides = array<i32>} : memref<4528xi32, #tpu.memory_space<vmem>>, vector<16xi32>,
      %swap3A_286 = arith.constant 0 : i32
      %swap3A_287 = arith.index_cast %swap3A_286 : i32 to index
      %swap3A_288 = arith.constant 32 : index
      %swap3A_289 = tpu.vector_load %arg14[%swap3A_287, %swap3A_288] {strides = array<i32>} : memref<1x64xi32, #tpu.memory_space<vmem>>, vector<16xi32>,
      tpu.vector_store %arg14[%swap3A_287, %swap3A_288], %get3A_285 {strides = array<i32>} : memref<1x64xi32, #tpu.memory_space<vmem>>, vector<16xi32>,
      %mul3A_290 = arith.constant 64 : i32
      %mul3A_291 = arith.muli %add3A_243, %mul3A_290 : i32
      %add3A_292 = arith.constant 32 : i32
      %add3A_293 = arith.addi %mul3A_291, %add3A_292 : i32
      %get3A_294 = arith.index_cast %add3A_293 : i32 to index
      %get3A_295 = tpu.vector_load %arg10[%get3A_294] {strides = array<i32>} : memref<4528xf32, #tpu.memory_space<vmem>>, vector<16xf32>,
      %swap3A_296 = arith.constant 32 : index
      %swap3A_297 = tpu.vector_load %arg15[%swap3A_296] {strides = array<i32>} : memref<80xf32, #tpu.memory_space<vmem>>, vector<16xf32>,
      tpu.vector_store %arg15[%swap3A_296], %get3A_295 {strides = array<i32>} : memref<80xf32, #tpu.memory_space<vmem>>, vector<16xf32>,
      %mul3A_298 = arith.constant 64 : i32
      %mul3A_299 = arith.muli %add3A_243, %mul3A_298 : i32
      %add3A_300 = arith.constant 48 : i32
      %add3A_301 = arith.addi %mul3A_299, %add3A_300 : i32
      %get3A_302 = arith.index_cast %add3A_301 : i32 to index
      %get3A_303 = tpu.vector_load %arg9[%get3A_302] {strides = array<i32>} : memref<4528xi32, #tpu.memory_space<vmem>>, vector<16xi32>,
      %swap3A_304 = arith.constant 0 : i32
      %swap3A_305 = arith.index_cast %swap3A_304 : i32 to index
      %swap3A_306 = arith.constant 48 : index
      %swap3A_307 = tpu.vector_load %arg14[%swap3A_305, %swap3A_306] {strides = array<i32>} : memref<1x64xi32, #tpu.memory_space<vmem>>, vector<16xi32>,
      tpu.vector_store %arg14[%swap3A_305, %swap3A_306], %get3A_303 {strides = array<i32>} : memref<1x64xi32, #tpu.memory_space<vmem>>, vector<16xi32>,
      %mul3A_308 = arith.constant 64 : i32
      %mul3A_309 = arith.muli %add3A_243, %mul3A_308 : i32
      %add3A_310 = arith.constant 48 : i32
      %add3A_311 = arith.addi %mul3A_309, %add3A_310 : i32
      %get3A_312 = arith.index_cast %add3A_311 : i32 to index
      %get3A_313 = tpu.vector_load %arg10[%get3A_312] {strides = array<i32>} : memref<4528xf32, #tpu.memory_space<vmem>>, vector<16xf32>,
      %swap3A_314 = arith.constant 48 : index
      %swap3A_315 = tpu.vector_load %arg15[%swap3A_314] {strides = array<i32>} : memref<80xf32, #tpu.memory_space<vmem>>, vector<16xf32>,
      tpu.vector_store %arg15[%swap3A_314], %get3A_313 {strides = array<i32>} : memref<80xf32, #tpu.memory_space<vmem>>, vector<16xf32>,
      %dma_start3A_316 = arith.constant 0 : i32
      %dma_start3A_317 = arith.constant 0 : i32
      %dma_start3A_318 = tpu.memref_slice %arg14[%dma_start3A_316, %dma_start3A_317] : memref<1x64xi32, #tpu.memory_space<vmem>> -> memref<1x64xi32, #tpu.memory_space<vmem>>
      %dma_start3A_319 = tpu.memref_squeeze %dma_start3A_318 : memref<1x64xi32, #tpu.memory_space<vmem>> -> memref<64xi32, #tpu.memory_space<vmem>>
      %dma_start3A_320 = arith.constant 0 : i32
      %dma_start3A_321 = arith.constant 0 : i32
      %dma_start3A_322 = tpu.memref_slice %arg2[%dma_start3A_320, %dma_start3A_321] : memref<140800x256xf32, #tpu.memory_space<hbm>> -> memref<140800x256xf32, #tpu.memory_space<hbm>>
      tpu.enqueue_indirect_dma source(%dma_start3A_322 : memref<140800x256xf32, #tpu.memory_space<hbm>>) target(%arg16 : memref<64x256xf32, #tpu.memory_space<vmem>>) offsets(%dma_start3A_319 : memref<64xi32, #tpu.memory_space<vmem>>) semaphore(%arg18 : memref<!tpu.dma_semaphore, #tpu.memory_space<semaphore_mem>>)
      %dma_wait3A = arith.constant 0 : i32
      %dma_wait3A_323 = arith.constant 0 : i32
      %dma_wait3A_324 = tpu.memref_slice %arg11[%dma_wait3A, %dma_wait3A_323] : memref<1x64xi32, #tpu.memory_space<vmem>> -> memref<1x64xi32, #tpu.memory_space<vmem>>
      %dma_wait3A_325 = tpu.memref_squeeze %dma_wait3A_324 : memref<1x64xi32, #tpu.memory_space<vmem>> -> memref<64xi32, #tpu.memory_space<vmem>>
      %dma_wait3A_326 = arith.constant 0 : i32
      %dma_wait3A_327 = arith.constant 0 : i32
      %dma_wait3A_328 = tpu.memref_slice %arg2[%dma_wait3A_326, %dma_wait3A_327] : memref<140800x256xf32, #tpu.memory_space<hbm>> -> memref<140800x256xf32, #tpu.memory_space<hbm>>
      tpu.wait_indirect_dma semaphore(%arg17 : memref<!tpu.dma_semaphore, #tpu.memory_space<semaphore_mem>>) src(%dma_wait3A_328 : memref<140800x256xf32, #tpu.memory_space<hbm>>) dst(%arg13 : memref<64x256xf32, #tpu.memory_space<vmem>>)
      %scan3A_329 = arith.constant 0 : i32
      %scan3A_330 = arith.constant 0 : i32
      %scan3A_331 = arith.constant 64 : i32
      %scan3A_332 = arith.addi %scan3A_330, %scan3A_331 : i32
      %scan3A_333 = arith.constant 1 : i32
      %scan3A_334 = scf.for %scan3A_379 = %scan3A_330 to %scan3A_332 step %scan3A_333 iter_args(%scan3A_380 = %scan3A_329) -> (i32)  : i32 {
        %get3A_381 = arith.index_cast %scan3A_379 : i32 to index
        %get3A_382 = tpu.vector_load %arg12[%get3A_381] {strides = array<i32>} : memref<80xf32, #tpu.memory_space<vmem>>, vector<16xf32>,
        %slice3A_383 = vector.extract_strided_slice %get3A_382 {offsets = [0], sizes = [1], strides = [1]} : vector<16xf32> to vector<1xf32>
        %squeeze3A_384 = vector.extract %slice3A_383[0] : f32 from vector<1xf32>
        %broadcast_in_dim3A_385 = vector.broadcast %squeeze3A_384 : f32 to vector<16xf32>
        %get3A_386 = arith.index_cast %scan3A_379 : i32 to index
        %get3A_387 = arith.constant 0 : index
        %get3A_388 = tpu.vector_load %arg13[%get3A_386, %get3A_387] {strides = array<i32>} : memref<64x256xf32, #tpu.memory_space<vmem>>, vector<16xf32>,
        %mul3A_389 = arith.mulf %get3A_388, %broadcast_in_dim3A_385 : vector<16xf32>
        %swap3A_390 = arith.index_cast %scan3A_379 : i32 to index
        %swap3A_391 = arith.constant 0 : index
        %swap3A_392 = tpu.vector_load %arg13[%swap3A_390, %swap3A_391] {strides = array<i32>} : memref<64x256xf32, #tpu.memory_space<vmem>>, vector<16xf32>,
        tpu.vector_store %arg13[%swap3A_390, %swap3A_391], %mul3A_389 {strides = array<i32>} : memref<64x256xf32, #tpu.memory_space<vmem>>, vector<16xf32>,
        %get3A_393 = arith.index_cast %scan3A_379 : i32 to index
        %get3A_394 = arith.constant 16 : index
        %get3A_395 = tpu.vector_load %arg13[%get3A_393, %get3A_394] {strides = array<i32>} : memref<64x256xf32, #tpu.memory_space<vmem>>, vector<16xf32>,
        %mul3A_396 = arith.mulf %get3A_395, %broadcast_in_dim3A_385 : vector<16xf32>
        %swap3A_397 = arith.index_cast %scan3A_379 : i32 to index
        %swap3A_398 = arith.constant 16 : index
        %swap3A_399 = tpu.vector_load %arg13[%swap3A_397, %swap3A_398] {strides = array<i32>} : memref<64x256xf32, #tpu.memory_space<vmem>>, vector<16xf32>,
        tpu.vector_store %arg13[%swap3A_397, %swap3A_398], %mul3A_396 {strides = array<i32>} : memref<64x256xf32, #tpu.memory_space<vmem>>, vector<16xf32>,
        %get3A_400 = arith.index_cast %scan3A_379 : i32 to index
        %get3A_401 = arith.constant 32 : index
        %get3A_402 = tpu.vector_load %arg13[%get3A_400, %get3A_401] {strides = array<i32>} : memref<64x256xf32, #tpu.memory_space<vmem>>, vector<16xf32>,
        %mul3A_403 = arith.mulf %get3A_402, %broadcast_in_dim3A_385 : vector<16xf32>
        %swap3A_404 = arith.index_cast %scan3A_379 : i32 to index
        %swap3A_405 = arith.constant 32 : index
        %swap3A_406 = tpu.vector_load %arg13[%swap3A_404, %swap3A_405] {strides = array<i32>} : memref<64x256xf32, #tpu.memory_space<vmem>>, vector<16xf32>,
        tpu.vector_store %arg13[%swap3A_404, %swap3A_405], %mul3A_403 {strides = array<i32>} : memref<64x256xf32, #tpu.memory_space<vmem>>, vector<16xf32>,
        %get3A_407 = arith.index_cast %scan3A_379 : i32 to index
        %get3A_408 = arith.constant 48 : index
        %get3A_409 = tpu.vector_load %arg13[%get3A_407, %get3A_408] {strides = array<i32>} : memref<64x256xf32, #tpu.memory_space<vmem>>, vector<16xf32>,
        %mul3A_410 = arith.mulf %get3A_409, %broadcast_in_dim3A_385 : vector<16xf32>
        %swap3A_411 = arith.index_cast %scan3A_379 : i32 to index
        %swap3A_412 = arith.constant 48 : index
        %swap3A_413 = tpu.vector_load %arg13[%swap3A_411, %swap3A_412] {strides = array<i32>} : memref<64x256xf32, #tpu.memory_space<vmem>>, vector<16xf32>,
        tpu.vector_store %arg13[%swap3A_411, %swap3A_412], %mul3A_410 {strides = array<i32>} : memref<64x256xf32, #tpu.memory_space<vmem>>, vector<16xf32>,
        %get3A_414 = arith.index_cast %scan3A_379 : i32 to index
        %get3A_415 = arith.constant 64 : index
        %get3A_416 = tpu.vector_load %arg13[%get3A_414, %get3A_415] {strides = array<i32>} : memref<64x256xf32, #tpu.memory_space<vmem>>, vector<16xf32>,
        %mul3A_417 = arith.mulf %get3A_416, %broadcast_in_dim3A_385 : vector<16xf32>
        %swap3A_418 = arith.index_cast %scan3A_379 : i32 to index
        %swap3A_419 = arith.constant 64 : index
        %swap3A_420 = tpu.vector_load %arg13[%swap3A_418, %swap3A_419] {strides = array<i32>} : memref<64x256xf32, #tpu.memory_space<vmem>>, vector<16xf32>,
        tpu.vector_store %arg13[%swap3A_418, %swap3A_419], %mul3A_417 {strides = array<i32>} : memref<64x256xf32, #tpu.memory_space<vmem>>, vector<16xf32>,
        %get3A_421 = arith.index_cast %scan3A_379 : i32 to index
        %get3A_422 = arith.constant 80 : index
        %get3A_423 = tpu.vector_load %arg13[%get3A_421, %get3A_422] {strides = array<i32>} : memref<64x256xf32, #tpu.memory_space<vmem>>, vector<16xf32>,
        %mul3A_424 = arith.mulf %get3A_423, %broadcast_in_dim3A_385 : vector<16xf32>
        %swap3A_425 = arith.index_cast %scan3A_379 : i32 to index
        %swap3A_426 = arith.constant 80 : index
        %swap3A_427 = tpu.vector_load %arg13[%swap3A_425, %swap3A_426] {strides = array<i32>} : memref<64x256xf32, #tpu.memory_space<vmem>>, vector<16xf32>,
        tpu.vector_store %arg13[%swap3A_425, %swap3A_426], %mul3A_424 {strides = array<i32>} : memref<64x256xf32, #tpu.memory_space<vmem>>, vector<16xf32>,
        %get3A_428 = arith.index_cast %scan3A_379 : i32 to index
        %get3A_429 = arith.constant 96 : index
        %get3A_430 = tpu.vector_load %arg13[%get3A_428, %get3A_429] {strides = array<i32>} : memref<64x256xf32, #tpu.memory_space<vmem>>, vector<16xf32>,
        %mul3A_431 = arith.mulf %get3A_430, %broadcast_in_dim3A_385 : vector<16xf32>
        %swap3A_432 = arith.index_cast %scan3A_379 : i32 to index
        %swap3A_433 = arith.constant 96 : index
        %swap3A_434 = tpu.vector_load %arg13[%swap3A_432, %swap3A_433] {strides = array<i32>} : memref<64x256xf32, #tpu.memory_space<vmem>>, vector<16xf32>,
        tpu.vector_store %arg13[%swap3A_432, %swap3A_433], %mul3A_431 {strides = array<i32>} : memref<64x256xf32, #tpu.memory_space<vmem>>, vector<16xf32>,
        %get3A_435 = arith.index_cast %scan3A_379 : i32 to index
        %get3A_436 = arith.constant 112 : index
        %get3A_437 = tpu.vector_load %arg13[%get3A_435, %get3A_436] {strides = array<i32>} : memref<64x256xf32, #tpu.memory_space<vmem>>, vector<16xf32>,
        %mul3A_438 = arith.mulf %get3A_437, %broadcast_in_dim3A_385 : vector<16xf32>
        %swap3A_439 = arith.index_cast %scan3A_379 : i32 to index
        %swap3A_440 = arith.constant 112 : index
        %swap3A_441 = tpu.vector_load %arg13[%swap3A_439, %swap3A_440] {strides = array<i32>} : memref<64x256xf32, #tpu.memory_space<vmem>>, vector<16xf32>,
        tpu.vector_store %arg13[%swap3A_439, %swap3A_440], %mul3A_438 {strides = array<i32>} : memref<64x256xf32, #tpu.memory_space<vmem>>, vector<16xf32>,
        %get3A_442 = arith.index_cast %scan3A_379 : i32 to index
        %get3A_443 = arith.constant 128 : index
        %get3A_444 = tpu.vector_load %arg13[%get3A_442, %get3A_443] {strides = array<i32>} : memref<64x256xf32, #tpu.memory_space<vmem>>, vector<16xf32>,
        %mul3A_445 = arith.mulf %get3A_444, %broadcast_in_dim3A_385 : vector<16xf32>
        %swap3A_446 = arith.index_cast %scan3A_379 : i32 to index
        %swap3A_447 = arith.constant 128 : index
        %swap3A_448 = tpu.vector_load %arg13[%swap3A_446, %swap3A_447] {strides = array<i32>} : memref<64x256xf32, #tpu.memory_space<vmem>>, vector<16xf32>,
        tpu.vector_store %arg13[%swap3A_446, %swap3A_447], %mul3A_445 {strides = array<i32>} : memref<64x256xf32, #tpu.memory_space<vmem>>, vector<16xf32>,
        %get3A_449 = arith.index_cast %scan3A_379 : i32 to index
        %get3A_450 = arith.constant 144 : index
        %get3A_451 = tpu.vector_load %arg13[%get3A_449, %get3A_450] {strides = array<i32>} : memref<64x256xf32, #tpu.memory_space<vmem>>, vector<16xf32>,
        %mul3A_452 = arith.mulf %get3A_451, %broadcast_in_dim3A_385 : vector<16xf32>
        %swap3A_453 = arith.index_cast %scan3A_379 : i32 to index
        %swap3A_454 = arith.constant 144 : index
        %swap3A_455 = tpu.vector_load %arg13[%swap3A_453, %swap3A_454] {strides = array<i32>} : memref<64x256xf32, #tpu.memory_space<vmem>>, vector<16xf32>,
        tpu.vector_store %arg13[%swap3A_453, %swap3A_454], %mul3A_452 {strides = array<i32>} : memref<64x256xf32, #tpu.memory_space<vmem>>, vector<16xf32>,
        %get3A_456 = arith.index_cast %scan3A_379 : i32 to index
        %get3A_457 = arith.constant 160 : index
        %get3A_458 = tpu.vector_load %arg13[%get3A_456, %get3A_457] {strides = array<i32>} : memref<64x256xf32, #tpu.memory_space<vmem>>, vector<16xf32>,
        %mul3A_459 = arith.mulf %get3A_458, %broadcast_in_dim3A_385 : vector<16xf32>
        %swap3A_460 = arith.index_cast %scan3A_379 : i32 to index
        %swap3A_461 = arith.constant 160 : index
        %swap3A_462 = tpu.vector_load %arg13[%swap3A_460, %swap3A_461] {strides = array<i32>} : memref<64x256xf32, #tpu.memory_space<vmem>>, vector<16xf32>,
        tpu.vector_store %arg13[%swap3A_460, %swap3A_461], %mul3A_459 {strides = array<i32>} : memref<64x256xf32, #tpu.memory_space<vmem>>, vector<16xf32>,
        %get3A_463 = arith.index_cast %scan3A_379 : i32 to index
        %get3A_464 = arith.constant 176 : index
        %get3A_465 = tpu.vector_load %arg13[%get3A_463, %get3A_464] {strides = array<i32>} : memref<64x256xf32, #tpu.memory_space<vmem>>, vector<16xf32>,
        %mul3A_466 = arith.mulf %get3A_465, %broadcast_in_dim3A_385 : vector<16xf32>
        %swap3A_467 = arith.index_cast %scan3A_379 : i32 to index
        %swap3A_468 = arith.constant 176 : index
        %swap3A_469 = tpu.vector_load %arg13[%swap3A_467, %swap3A_468] {strides = array<i32>} : memref<64x256xf32, #tpu.memory_space<vmem>>, vector<16xf32>,
        tpu.vector_store %arg13[%swap3A_467, %swap3A_468], %mul3A_466 {strides = array<i32>} : memref<64x256xf32, #tpu.memory_space<vmem>>, vector<16xf32>,
        %get3A_470 = arith.index_cast %scan3A_379 : i32 to index
        %get3A_471 = arith.constant 192 : index
        %get3A_472 = tpu.vector_load %arg13[%get3A_470, %get3A_471] {strides = array<i32>} : memref<64x256xf32, #tpu.memory_space<vmem>>, vector<16xf32>,
        %mul3A_473 = arith.mulf %get3A_472, %broadcast_in_dim3A_385 : vector<16xf32>
        %swap3A_474 = arith.index_cast %scan3A_379 : i32 to index
        %swap3A_475 = arith.constant 192 : index
        %swap3A_476 = tpu.vector_load %arg13[%swap3A_474, %swap3A_475] {strides = array<i32>} : memref<64x256xf32, #tpu.memory_space<vmem>>, vector<16xf32>,
        tpu.vector_store %arg13[%swap3A_474, %swap3A_475], %mul3A_473 {strides = array<i32>} : memref<64x256xf32, #tpu.memory_space<vmem>>, vector<16xf32>,
        %get3A_477 = arith.index_cast %scan3A_379 : i32 to index
        %get3A_478 = arith.constant 208 : index
        %get3A_479 = tpu.vector_load %arg13[%get3A_477, %get3A_478] {strides = array<i32>} : memref<64x256xf32, #tpu.memory_space<vmem>>, vector<16xf32>,
        %mul3A_480 = arith.mulf %get3A_479, %broadcast_in_dim3A_385 : vector<16xf32>
        %swap3A_481 = arith.index_cast %scan3A_379 : i32 to index
        %swap3A_482 = arith.constant 208 : index
        %swap3A_483 = tpu.vector_load %arg13[%swap3A_481, %swap3A_482] {strides = array<i32>} : memref<64x256xf32, #tpu.memory_space<vmem>>, vector<16xf32>,
        tpu.vector_store %arg13[%swap3A_481, %swap3A_482], %mul3A_480 {strides = array<i32>} : memref<64x256xf32, #tpu.memory_space<vmem>>, vector<16xf32>,
        %get3A_484 = arith.index_cast %scan3A_379 : i32 to index
        %get3A_485 = arith.constant 224 : index
        %get3A_486 = tpu.vector_load %arg13[%get3A_484, %get3A_485] {strides = array<i32>} : memref<64x256xf32, #tpu.memory_space<vmem>>, vector<16xf32>,
        %mul3A_487 = arith.mulf %get3A_486, %broadcast_in_dim3A_385 : vector<16xf32>
        %swap3A_488 = arith.index_cast %scan3A_379 : i32 to index
        %swap3A_489 = arith.constant 224 : index
        %swap3A_490 = tpu.vector_load %arg13[%swap3A_488, %swap3A_489] {strides = array<i32>} : memref<64x256xf32, #tpu.memory_space<vmem>>, vector<16xf32>,
        tpu.vector_store %arg13[%swap3A_488, %swap3A_489], %mul3A_487 {strides = array<i32>} : memref<64x256xf32, #tpu.memory_space<vmem>>, vector<16xf32>,
        %get3A_491 = arith.index_cast %scan3A_379 : i32 to index
        %get3A_492 = arith.constant 240 : index
        %get3A_493 = tpu.vector_load %arg13[%get3A_491, %get3A_492] {strides = array<i32>} : memref<64x256xf32, #tpu.memory_space<vmem>>, vector<16xf32>,
        %mul3A_494 = arith.mulf %get3A_493, %broadcast_in_dim3A_385 : vector<16xf32>
        %swap3A_495 = arith.index_cast %scan3A_379 : i32 to index
        %swap3A_496 = arith.constant 240 : index
        %swap3A_497 = tpu.vector_load %arg13[%swap3A_495, %swap3A_496] {strides = array<i32>} : memref<64x256xf32, #tpu.memory_space<vmem>>, vector<16xf32>,
        tpu.vector_store %arg13[%swap3A_495, %swap3A_496], %mul3A_494 {strides = array<i32>} : memref<64x256xf32, #tpu.memory_space<vmem>>, vector<16xf32>,
        %scan3A_498 = arith.constant 0 : i32
        scf.yield %scan3A_498 : i32
      }
      %scan3A_335 = arith.constant 64 : i32
      %dma_start3A_336 = arith.constant 0 : i32
      %dma_start3A_337 = arith.constant 0 : i32
      %dma_start3A_338 = tpu.memref_slice %arg11[%dma_start3A_336, %dma_start3A_337] : memref<1x64xi32, #tpu.memory_space<vmem>> -> memref<1x64xi32, #tpu.memory_space<vmem>>
      %dma_start3A_339 = tpu.memref_squeeze %dma_start3A_338 : memref<1x64xi32, #tpu.memory_space<vmem>> -> memref<64xi32, #tpu.memory_space<vmem>>
      %dma_start3A_340 = arith.constant 0 : i32
      %dma_start3A_341 = arith.constant 0 : i32
      %dma_start3A_342 = tpu.memref_slice %arg5[%dma_start3A_340, %dma_start3A_341] : memref<140800x256xf32, #tpu.memory_space<hbm>> -> memref<140800x256xf32, #tpu.memory_space<hbm>>
      tpu.enqueue_indirect_dma source(%arg13 : memref<64x256xf32, #tpu.memory_space<vmem>>) target(%dma_start3A_342 : memref<140800x256xf32, #tpu.memory_space<hbm>>) offsets(%dma_start3A_339 : memref<64xi32, #tpu.memory_space<vmem>>) semaphore(%arg19 : memref<!tpu.dma_semaphore, #tpu.memory_space<semaphore_mem>>)
      %dma_wait3A_343 = arith.constant 0 : i32
      %dma_wait3A_344 = arith.constant 0 : i32
      %dma_wait3A_345 = tpu.memref_slice %arg14[%dma_wait3A_343, %dma_wait3A_344] : memref<1x64xi32, #tpu.memory_space<vmem>> -> memref<1x64xi32, #tpu.memory_space<vmem>>
      %dma_wait3A_346 = tpu.memref_squeeze %dma_wait3A_345 : memref<1x64xi32, #tpu.memory_space<vmem>> -> memref<64xi32, #tpu.memory_space<vmem>>
      %dma_wait3A_347 = arith.constant 0 : i32
      %dma_wait3A_348 = arith.constant 0 : i32
      %dma_wait3A_349 = tpu.memref_slice %arg2[%dma_wait3A_347, %dma_wait3A_348] : memref<140800x256xf32, #tpu.memory_space<hbm>> -> memref<140800x256xf32, #tpu.memory_space<hbm>>
      tpu.wait_indirect_dma semaphore(%arg18 : memref<!tpu.dma_semaphore, #tpu.memory_space<semaphore_mem>>) src(%dma_wait3A_349 : memref<140800x256xf32, #tpu.memory_space<hbm>>) dst(%arg16 : memref<64x256xf32, #tpu.memory_space<vmem>>)
      %scan3A_350 = arith.constant 0 : i32
      %scan3A_351 = arith.constant 0 : i32
      %scan3A_352 = arith.constant 64 : i32
      %scan3A_353 = arith.addi %scan3A_351, %scan3A_352 : i32
      %scan3A_354 = arith.constant 1 : i32
      %scan3A_355 = scf.for %scan3A_379 = %scan3A_351 to %scan3A_353 step %scan3A_354 iter_args(%scan3A_380 = %scan3A_350) -> (i32)  : i32 {
        %get3A_381 = arith.index_cast %scan3A_379 : i32 to index
        %get3A_382 = tpu.vector_load %arg15[%get3A_381] {strides = array<i32>} : memref<80xf32, #tpu.memory_space<vmem>>, vector<16xf32>,
        %slice3A_383 = vector.extract_strided_slice %get3A_382 {offsets = [0], sizes = [1], strides = [1]} : vector<16xf32> to vector<1xf32>
        %squeeze3A_384 = vector.extract %slice3A_383[0] : f32 from vector<1xf32>
        %broadcast_in_dim3A_385 = vector.broadcast %squeeze3A_384 : f32 to vector<16xf32>
        %get3A_386 = arith.index_cast %scan3A_379 : i32 to index
        %get3A_387 = arith.constant 0 : index
        %get3A_388 = tpu.vector_load %arg16[%get3A_386, %get3A_387] {strides = array<i32>} : memref<64x256xf32, #tpu.memory_space<vmem>>, vector<16xf32>,
        %mul3A_389 = arith.mulf %get3A_388, %broadcast_in_dim3A_385 : vector<16xf32>
        %swap3A_390 = arith.index_cast %scan3A_379 : i32 to index
        %swap3A_391 = arith.constant 0 : index
        %swap3A_392 = tpu.vector_load %arg16[%swap3A_390, %swap3A_391] {strides = array<i32>} : memref<64x256xf32, #tpu.memory_space<vmem>>, vector<16xf32>,
        tpu.vector_store %arg16[%swap3A_390, %swap3A_391], %mul3A_389 {strides = array<i32>} : memref<64x256xf32, #tpu.memory_space<vmem>>, vector<16xf32>,
        %get3A_393 = arith.index_cast %scan3A_379 : i32 to index
        %get3A_394 = arith.constant 16 : index
        %get3A_395 = tpu.vector_load %arg16[%get3A_393, %get3A_394] {strides = array<i32>} : memref<64x256xf32, #tpu.memory_space<vmem>>, vector<16xf32>,
        %mul3A_396 = arith.mulf %get3A_395, %broadcast_in_dim3A_385 : vector<16xf32>
        %swap3A_397 = arith.index_cast %scan3A_379 : i32 to index
        %swap3A_398 = arith.constant 16 : index
        %swap3A_399 = tpu.vector_load %arg16[%swap3A_397, %swap3A_398] {strides = array<i32>} : memref<64x256xf32, #tpu.memory_space<vmem>>, vector<16xf32>,
        tpu.vector_store %arg16[%swap3A_397, %swap3A_398], %mul3A_396 {strides = array<i32>} : memref<64x256xf32, #tpu.memory_space<vmem>>, vector<16xf32>,
        %get3A_400 = arith.index_cast %scan3A_379 : i32 to index
        %get3A_401 = arith.constant 32 : index
        %get3A_402 = tpu.vector_load %arg16[%get3A_400, %get3A_401] {strides = array<i32>} : memref<64x256xf32, #tpu.memory_space<vmem>>, vector<16xf32>,
        %mul3A_403 = arith.mulf %get3A_402, %broadcast_in_dim3A_385 : vector<16xf32>
        %swap3A_404 = arith.index_cast %scan3A_379 : i32 to index
        %swap3A_405 = arith.constant 32 : index
        %swap3A_406 = tpu.vector_load %arg16[%swap3A_404, %swap3A_405] {strides = array<i32>} : memref<64x256xf32, #tpu.memory_space<vmem>>, vector<16xf32>,
        tpu.vector_store %arg16[%swap3A_404, %swap3A_405], %mul3A_403 {strides = array<i32>} : memref<64x256xf32, #tpu.memory_space<vmem>>, vector<16xf32>,
        %get3A_407 = arith.index_cast %scan3A_379 : i32 to index
        %get3A_408 = arith.constant 48 : index
        %get3A_409 = tpu.vector_load %arg16[%get3A_407, %get3A_408] {strides = array<i32>} : memref<64x256xf32, #tpu.memory_space<vmem>>, vector<16xf32>,
        %mul3A_410 = arith.mulf %get3A_409, %broadcast_in_dim3A_385 : vector<16xf32>
        %swap3A_411 = arith.index_cast %scan3A_379 : i32 to index
        %swap3A_412 = arith.constant 48 : index
        %swap3A_413 = tpu.vector_load %arg16[%swap3A_411, %swap3A_412] {strides = array<i32>} : memref<64x256xf32, #tpu.memory_space<vmem>>, vector<16xf32>,
        tpu.vector_store %arg16[%swap3A_411, %swap3A_412], %mul3A_410 {strides = array<i32>} : memref<64x256xf32, #tpu.memory_space<vmem>>, vector<16xf32>,
        %get3A_414 = arith.index_cast %scan3A_379 : i32 to index
        %get3A_415 = arith.constant 64 : index
        %get3A_416 = tpu.vector_load %arg16[%get3A_414, %get3A_415] {strides = array<i32>} : memref<64x256xf32, #tpu.memory_space<vmem>>, vector<16xf32>,
        %mul3A_417 = arith.mulf %get3A_416, %broadcast_in_dim3A_385 : vector<16xf32>
        %swap3A_418 = arith.index_cast %scan3A_379 : i32 to index
        %swap3A_419 = arith.constant 64 : index
        %swap3A_420 = tpu.vector_load %arg16[%swap3A_418, %swap3A_419] {strides = array<i32>} : memref<64x256xf32, #tpu.memory_space<vmem>>, vector<16xf32>,
        tpu.vector_store %arg16[%swap3A_418, %swap3A_419], %mul3A_417 {strides = array<i32>} : memref<64x256xf32, #tpu.memory_space<vmem>>, vector<16xf32>,
        %get3A_421 = arith.index_cast %scan3A_379 : i32 to index
        %get3A_422 = arith.constant 80 : index
        %get3A_423 = tpu.vector_load %arg16[%get3A_421, %get3A_422] {strides = array<i32>} : memref<64x256xf32, #tpu.memory_space<vmem>>, vector<16xf32>,
        %mul3A_424 = arith.mulf %get3A_423, %broadcast_in_dim3A_385 : vector<16xf32>
        %swap3A_425 = arith.index_cast %scan3A_379 : i32 to index
        %swap3A_426 = arith.constant 80 : index
        %swap3A_427 = tpu.vector_load %arg16[%swap3A_425, %swap3A_426] {strides = array<i32>} : memref<64x256xf32, #tpu.memory_space<vmem>>, vector<16xf32>,
        tpu.vector_store %arg16[%swap3A_425, %swap3A_426], %mul3A_424 {strides = array<i32>} : memref<64x256xf32, #tpu.memory_space<vmem>>, vector<16xf32>,
        %get3A_428 = arith.index_cast %scan3A_379 : i32 to index
        %get3A_429 = arith.constant 96 : index
        %get3A_430 = tpu.vector_load %arg16[%get3A_428, %get3A_429] {strides = array<i32>} : memref<64x256xf32, #tpu.memory_space<vmem>>, vector<16xf32>,
        %mul3A_431 = arith.mulf %get3A_430, %broadcast_in_dim3A_385 : vector<16xf32>
        %swap3A_432 = arith.index_cast %scan3A_379 : i32 to index
        %swap3A_433 = arith.constant 96 : index
        %swap3A_434 = tpu.vector_load %arg16[%swap3A_432, %swap3A_433] {strides = array<i32>} : memref<64x256xf32, #tpu.memory_space<vmem>>, vector<16xf32>,
        tpu.vector_store %arg16[%swap3A_432, %swap3A_433], %mul3A_431 {strides = array<i32>} : memref<64x256xf32, #tpu.memory_space<vmem>>, vector<16xf32>,
        %get3A_435 = arith.index_cast %scan3A_379 : i32 to index
        %get3A_436 = arith.constant 112 : index
        %get3A_437 = tpu.vector_load %arg16[%get3A_435, %get3A_436] {strides = array<i32>} : memref<64x256xf32, #tpu.memory_space<vmem>>, vector<16xf32>,
        %mul3A_438 = arith.mulf %get3A_437, %broadcast_in_dim3A_385 : vector<16xf32>
        %swap3A_439 = arith.index_cast %scan3A_379 : i32 to index
        %swap3A_440 = arith.constant 112 : index
        %swap3A_441 = tpu.vector_load %arg16[%swap3A_439, %swap3A_440] {strides = array<i32>} : memref<64x256xf32, #tpu.memory_space<vmem>>, vector<16xf32>,
        tpu.vector_store %arg16[%swap3A_439, %swap3A_440], %mul3A_438 {strides = array<i32>} : memref<64x256xf32, #tpu.memory_space<vmem>>, vector<16xf32>,
        %get3A_442 = arith.index_cast %scan3A_379 : i32 to index
        %get3A_443 = arith.constant 128 : index
        %get3A_444 = tpu.vector_load %arg16[%get3A_442, %get3A_443] {strides = array<i32>} : memref<64x256xf32, #tpu.memory_space<vmem>>, vector<16xf32>,
        %mul3A_445 = arith.mulf %get3A_444, %broadcast_in_dim3A_385 : vector<16xf32>
        %swap3A_446 = arith.index_cast %scan3A_379 : i32 to index
        %swap3A_447 = arith.constant 128 : index
        %swap3A_448 = tpu.vector_load %arg16[%swap3A_446, %swap3A_447] {strides = array<i32>} : memref<64x256xf32, #tpu.memory_space<vmem>>, vector<16xf32>,
        tpu.vector_store %arg16[%swap3A_446, %swap3A_447], %mul3A_445 {strides = array<i32>} : memref<64x256xf32, #tpu.memory_space<vmem>>, vector<16xf32>,
        %get3A_449 = arith.index_cast %scan3A_379 : i32 to index
        %get3A_450 = arith.constant 144 : index
        %get3A_451 = tpu.vector_load %arg16[%get3A_449, %get3A_450] {strides = array<i32>} : memref<64x256xf32, #tpu.memory_space<vmem>>, vector<16xf32>,
        %mul3A_452 = arith.mulf %get3A_451, %broadcast_in_dim3A_385 : vector<16xf32>
        %swap3A_453 = arith.index_cast %scan3A_379 : i32 to index
        %swap3A_454 = arith.constant 144 : index
        %swap3A_455 = tpu.vector_load %arg16[%swap3A_453, %swap3A_454] {strides = array<i32>} : memref<64x256xf32, #tpu.memory_space<vmem>>, vector<16xf32>,
        tpu.vector_store %arg16[%swap3A_453, %swap3A_454], %mul3A_452 {strides = array<i32>} : memref<64x256xf32, #tpu.memory_space<vmem>>, vector<16xf32>,
        %get3A_456 = arith.index_cast %scan3A_379 : i32 to index
        %get3A_457 = arith.constant 160 : index
        %get3A_458 = tpu.vector_load %arg16[%get3A_456, %get3A_457] {strides = array<i32>} : memref<64x256xf32, #tpu.memory_space<vmem>>, vector<16xf32>,
        %mul3A_459 = arith.mulf %get3A_458, %broadcast_in_dim3A_385 : vector<16xf32>
        %swap3A_460 = arith.index_cast %scan3A_379 : i32 to index
        %swap3A_461 = arith.constant 160 : index
        %swap3A_462 = tpu.vector_load %arg16[%swap3A_460, %swap3A_461] {strides = array<i32>} : memref<64x256xf32, #tpu.memory_space<vmem>>, vector<16xf32>,
        tpu.vector_store %arg16[%swap3A_460, %swap3A_461], %mul3A_459 {strides = array<i32>} : memref<64x256xf32, #tpu.memory_space<vmem>>, vector<16xf32>,
        %get3A_463 = arith.index_cast %scan3A_379 : i32 to index
        %get3A_464 = arith.constant 176 : index
        %get3A_465 = tpu.vector_load %arg16[%get3A_463, %get3A_464] {strides = array<i32>} : memref<64x256xf32, #tpu.memory_space<vmem>>, vector<16xf32>,
        %mul3A_466 = arith.mulf %get3A_465, %broadcast_in_dim3A_385 : vector<16xf32>
        %swap3A_467 = arith.index_cast %scan3A_379 : i32 to index
        %swap3A_468 = arith.constant 176 : index
        %swap3A_469 = tpu.vector_load %arg16[%swap3A_467, %swap3A_468] {strides = array<i32>} : memref<64x256xf32, #tpu.memory_space<vmem>>, vector<16xf32>,
        tpu.vector_store %arg16[%swap3A_467, %swap3A_468], %mul3A_466 {strides = array<i32>} : memref<64x256xf32, #tpu.memory_space<vmem>>, vector<16xf32>,
        %get3A_470 = arith.index_cast %scan3A_379 : i32 to index
        %get3A_471 = arith.constant 192 : index
        %get3A_472 = tpu.vector_load %arg16[%get3A_470, %get3A_471] {strides = array<i32>} : memref<64x256xf32, #tpu.memory_space<vmem>>, vector<16xf32>,
        %mul3A_473 = arith.mulf %get3A_472, %broadcast_in_dim3A_385 : vector<16xf32>
        %swap3A_474 = arith.index_cast %scan3A_379 : i32 to index
        %swap3A_475 = arith.constant 192 : index
        %swap3A_476 = tpu.vector_load %arg16[%swap3A_474, %swap3A_475] {strides = array<i32>} : memref<64x256xf32, #tpu.memory_space<vmem>>, vector<16xf32>,
        tpu.vector_store %arg16[%swap3A_474, %swap3A_475], %mul3A_473 {strides = array<i32>} : memref<64x256xf32, #tpu.memory_space<vmem>>, vector<16xf32>,
        %get3A_477 = arith.index_cast %scan3A_379 : i32 to index
        %get3A_478 = arith.constant 208 : index
        %get3A_479 = tpu.vector_load %arg16[%get3A_477, %get3A_478] {strides = array<i32>} : memref<64x256xf32, #tpu.memory_space<vmem>>, vector<16xf32>,
        %mul3A_480 = arith.mulf %get3A_479, %broadcast_in_dim3A_385 : vector<16xf32>
        %swap3A_481 = arith.index_cast %scan3A_379 : i32 to index
        %swap3A_482 = arith.constant 208 : index
        %swap3A_483 = tpu.vector_load %arg16[%swap3A_481, %swap3A_482] {strides = array<i32>} : memref<64x256xf32, #tpu.memory_space<vmem>>, vector<16xf32>,
        tpu.vector_store %arg16[%swap3A_481, %swap3A_482], %mul3A_480 {strides = array<i32>} : memref<64x256xf32, #tpu.memory_space<vmem>>, vector<16xf32>,
        %get3A_484 = arith.index_cast %scan3A_379 : i32 to index
        %get3A_485 = arith.constant 224 : index
        %get3A_486 = tpu.vector_load %arg16[%get3A_484, %get3A_485] {strides = array<i32>} : memref<64x256xf32, #tpu.memory_space<vmem>>, vector<16xf32>,
        %mul3A_487 = arith.mulf %get3A_486, %broadcast_in_dim3A_385 : vector<16xf32>
        %swap3A_488 = arith.index_cast %scan3A_379 : i32 to index
        %swap3A_489 = arith.constant 224 : index
        %swap3A_490 = tpu.vector_load %arg16[%swap3A_488, %swap3A_489] {strides = array<i32>} : memref<64x256xf32, #tpu.memory_space<vmem>>, vector<16xf32>,
        tpu.vector_store %arg16[%swap3A_488, %swap3A_489], %mul3A_487 {strides = array<i32>} : memref<64x256xf32, #tpu.memory_space<vmem>>, vector<16xf32>,
        %get3A_491 = arith.index_cast %scan3A_379 : i32 to index
        %get3A_492 = arith.constant 240 : index
        %get3A_493 = tpu.vector_load %arg16[%get3A_491, %get3A_492] {strides = array<i32>} : memref<64x256xf32, #tpu.memory_space<vmem>>, vector<16xf32>,
        %mul3A_494 = arith.mulf %get3A_493, %broadcast_in_dim3A_385 : vector<16xf32>
        %swap3A_495 = arith.index_cast %scan3A_379 : i32 to index
        %swap3A_496 = arith.constant 240 : index
        %swap3A_497 = tpu.vector_load %arg16[%swap3A_495, %swap3A_496] {strides = array<i32>} : memref<64x256xf32, #tpu.memory_space<vmem>>, vector<16xf32>,
        tpu.vector_store %arg16[%swap3A_495, %swap3A_496], %mul3A_494 {strides = array<i32>} : memref<64x256xf32, #tpu.memory_space<vmem>>, vector<16xf32>,
        %scan3A_498 = arith.constant 0 : i32
        scf.yield %scan3A_498 : i32
      }
      %scan3A_356 = arith.constant 64 : i32
      %dma_start3A_357 = arith.constant 0 : i32
      %dma_start3A_358 = arith.constant 0 : i32
      %dma_start3A_359 = tpu.memref_slice %arg14[%dma_start3A_357, %dma_start3A_358] : memref<1x64xi32, #tpu.memory_space<vmem>> -> memref<1x64xi32, #tpu.memory_space<vmem>>
      %dma_start3A_360 = tpu.memref_squeeze %dma_start3A_359 : memref<1x64xi32, #tpu.memory_space<vmem>> -> memref<64xi32, #tpu.memory_space<vmem>>
      %dma_start3A_361 = arith.constant 0 : i32
      %dma_start3A_362 = arith.constant 0 : i32
      %dma_start3A_363 = tpu.memref_slice %arg5[%dma_start3A_361, %dma_start3A_362] : memref<140800x256xf32, #tpu.memory_space<hbm>> -> memref<140800x256xf32, #tpu.memory_space<hbm>>
      tpu.enqueue_indirect_dma source(%arg16 : memref<64x256xf32, #tpu.memory_space<vmem>>) target(%dma_start3A_363 : memref<140800x256xf32, #tpu.memory_space<hbm>>) offsets(%dma_start3A_360 : memref<64xi32, #tpu.memory_space<vmem>>) semaphore(%arg20 : memref<!tpu.dma_semaphore, #tpu.memory_space<semaphore_mem>>)
      %dma_wait3A_364 = arith.constant 0 : i32
      %dma_wait3A_365 = arith.constant 0 : i32
      %dma_wait3A_366 = tpu.memref_slice %arg11[%dma_wait3A_364, %dma_wait3A_365] : memref<1x64xi32, #tpu.memory_space<vmem>> -> memref<1x64xi32, #tpu.memory_space<vmem>>
      %dma_wait3A_367 = tpu.memref_squeeze %dma_wait3A_366 : memref<1x64xi32, #tpu.memory_space<vmem>> -> memref<64xi32, #tpu.memory_space<vmem>>
      %dma_wait3A_368 = arith.constant 0 : i32
      %dma_wait3A_369 = arith.constant 0 : i32
      %dma_wait3A_370 = tpu.memref_slice %arg5[%dma_wait3A_368, %dma_wait3A_369] : memref<140800x256xf32, #tpu.memory_space<hbm>> -> memref<140800x256xf32, #tpu.memory_space<hbm>>
      tpu.wait_indirect_dma semaphore(%arg19 : memref<!tpu.dma_semaphore, #tpu.memory_space<semaphore_mem>>) src(%arg13 : memref<64x256xf32, #tpu.memory_space<vmem>>) dst(%dma_wait3A_370 : memref<140800x256xf32, #tpu.memory_space<hbm>>)
      %dma_wait3A_371 = arith.constant 0 : i32
      %dma_wait3A_372 = arith.constant 0 : i32
      %dma_wait3A_373 = tpu.memref_slice %arg14[%dma_wait3A_371, %dma_wait3A_372] : memref<1x64xi32, #tpu.memory_space<vmem>> -> memref<1x64xi32, #tpu.memory_space<vmem>>
      %dma_wait3A_374 = tpu.memref_squeeze %dma_wait3A_373 : memref<1x64xi32, #tpu.memory_space<vmem>> -> memref<64xi32, #tpu.memory_space<vmem>>
      %dma_wait3A_375 = arith.constant 0 : i32
      %dma_wait3A_376 = arith.constant 0 : i32
      %dma_wait3A_377 = tpu.memref_slice %arg5[%dma_wait3A_375, %dma_wait3A_376] : memref<140800x256xf32, #tpu.memory_space<hbm>> -> memref<140800x256xf32, #tpu.memory_space<hbm>>
      tpu.wait_indirect_dma semaphore(%arg20 : memref<!tpu.dma_semaphore, #tpu.memory_space<semaphore_mem>>) src(%arg16 : memref<64x256xf32, #tpu.memory_space<vmem>>) dst(%dma_wait3A_377 : memref<140800x256xf32, #tpu.memory_space<hbm>>)
      %while3A_378 = arith.constant 0 : i32
      scf.yield %while3A_378 : i32
    }
    return
  }
}

module attributes {stable_mosaic.version = 14 : i64} {
  func.func @_scores_kernel(%arg0: i32, %arg1: i32, %arg2: memref<1x7040x256xf32, #tpu.memory_space<vmem>>, %arg3: memref<256x256xf32, #tpu.memory_space<vmem>>, %arg4: memref<1x256xf32, #tpu.memory_space<vmem>>, %arg5: memref<256x1xf32, #tpu.memory_space<vmem>>, %arg6: memref<1x1xf32, #tpu.memory_space<vmem>>, %arg7: memref<1x1x7040xf32, #tpu.memory_space<vmem>>, %arg8: memref<1x1x7040xf32, #tpu.memory_space<vmem>>, %arg9: memref<1x7040x256xf32, #tpu.memory_space<vmem>>) attributes {dimension_semantics = [#tpu.dimension_semantics<arbitrary>, #tpu.dimension_semantics<arbitrary>], iteration_bounds = array<i64: 4, 5>, scalar_prefetch = 0 : i64, scratch_operands = 0 : i64, tpu.core_type = #tpu.core_type<tc>, window_params = [{transform_indices = @transform_0, window_bounds = array<i64: 1, 7040, 256>}, {pipeline_mode = #tpu.pipeline_mode<synchronous>, transform_indices = @transform_1, window_bounds = array<i64: 256, 256>}, {pipeline_mode = #tpu.pipeline_mode<synchronous>, transform_indices = @transform_2, window_bounds = array<i64: 1, 256>}, {pipeline_mode = #tpu.pipeline_mode<synchronous>, transform_indices = @transform_3, window_bounds = array<i64: 256, 1>}, {pipeline_mode = #tpu.pipeline_mode<synchronous>, transform_indices = @transform_4, window_bounds = array<i64: 1, 1>}, {transform_indices = @transform_5, window_bounds = array<i64: 1, 1, 7040>}, {transform_indices = @transform_6, window_bounds = array<i64: 1, 1, 7040>}, {transform_indices = @transform_7, window_bounds = array<i64: 1, 7040, 256>}]} {
    %get3A = arith.constant 0 : index
    %get3A_0 = arith.constant 0 : index
    %get3A_1 = arith.constant 0 : index
    %get3A_2 = vector.load %arg2[%get3A, %get3A_0, %get3A_1] : memref<1x7040x256xf32, #tpu.memory_space<vmem>>, vector<1x7040x256xf32>
    %get3A_3 = vector.shape_cast %get3A_2 : vector<1x7040x256xf32> to vector<7040x256xf32>
    %get3A_4 = arith.constant 0 : index
    %get3A_5 = arith.constant 0 : index
    %get3A_6 = vector.load %arg3[%get3A_4, %get3A_5] : memref<256x256xf32, #tpu.memory_space<vmem>>, vector<256x256xf32>
    %dot_general3A = arith.constant dense<0.000000e+00> : vector<7040x256xf32>
    %dot_general3A_7 = tpu.matmul %get3A_3, %get3A_6, %dot_general3A {dimension_numbers = #tpu.dot_dimension_numbers<[1], [0], [0], [1], [0, 0, 1, 1], [], []>, transpose_lhs_hint = false} : vector<7040x256xf32>, vector<256x256xf32>, vector<7040x256xf32> -> vector<7040x256xf32>
    %get3A_8 = arith.constant 0 : index
    %get3A_9 = arith.constant 0 : index
    %get3A_10 = vector.load %arg4[%get3A_8, %get3A_9] : memref<1x256xf32, #tpu.memory_space<vmem>>, vector<1x256xf32>
    %add3A = vector.broadcast %get3A_10 : vector<1x256xf32> to vector<7040x256xf32>
    %add3A_11 = arith.addf %dot_general3A_7, %add3A : vector<7040x256xf32>
    %max3A = arith.constant 0.000000e+00 : f32
    %max3A_12 = vector.broadcast %max3A : f32 to vector<7040x256xf32>
    %max3A_13 = arith.maximumf %add3A_11, %max3A_12 : vector<7040x256xf32>
    %get3A_14 = arith.constant 0 : index
    %get3A_15 = arith.constant 0 : index
    %get3A_16 = vector.load %arg5[%get3A_14, %get3A_15] : memref<256x1xf32, #tpu.memory_space<vmem>>, vector<256x1xf32>
    %dot_general3A_17 = arith.constant dense<0.000000e+00> : vector<1x7040xf32>
    %dot_general3A_18 = tpu.matmul %get3A_16, %max3A_13, %dot_general3A_17 {dimension_numbers = #tpu.dot_dimension_numbers<[0], [1], [1], [0], [0, 1, 1, 0], [], []>, transpose_lhs_hint = false} : vector<256x1xf32>, vector<7040x256xf32>, vector<1x7040xf32> -> vector<1x7040xf32>
    %get3A_19 = arith.constant 0 : index
    %get3A_20 = arith.constant 0 : index
    %get3A_21 = vector.load %arg6[%get3A_19, %get3A_20] : memref<1x1xf32, #tpu.memory_space<vmem>>, vector<1x1xf32>
    %add3A_22 = vector.broadcast %get3A_21 : vector<1x1xf32> to vector<1x7040xf32>
    %add3A_23 = arith.addf %dot_general3A_18, %add3A_22 : vector<1x7040xf32>
    %logistic3A = arith.negf %add3A_23 : vector<1x7040xf32>
    %logistic3A_24 = math.exp %logistic3A : vector<1x7040xf32>
    %logistic3A_25 = arith.constant 1.000000e+00 : f32
    %logistic3A_26 = vector.broadcast %logistic3A_25 : f32 to vector<1x7040xf32>
    %logistic3A_27 = arith.addf %logistic3A_26, %logistic3A_24 : vector<1x7040xf32>
    %logistic3A_28 = arith.divf %logistic3A_26, %logistic3A_27 : vector<1x7040xf32>
    %get3A_29 = arith.constant 0 : index
    %get3A_30 = arith.constant 0 : index
    %get3A_31 = arith.constant 0 : index
    %get3A_32 = vector.load %arg7[%get3A_29, %get3A_30, %get3A_31] : memref<1x1x7040xf32, #tpu.memory_space<vmem>>, vector<1x1x7040xf32>
    %get3A_33 = vector.shape_cast %get3A_32 : vector<1x1x7040xf32> to vector<1x7040xf32>
    %mul3A = arith.mulf %logistic3A_28, %get3A_33 : vector<1x7040xf32>
    %swap3A = arith.constant 0 : index
    %swap3A_34 = arith.constant 0 : index
    %swap3A_35 = arith.constant 0 : index
    %swap3A_36 = vector.load %arg8[%swap3A, %swap3A_34, %swap3A_35] : memref<1x1x7040xf32, #tpu.memory_space<vmem>>, vector<1x1x7040xf32>
    %swap3A_37 = vector.shape_cast %swap3A_36 : vector<1x1x7040xf32> to vector<1x7040xf32>
    %swap3A_38 = vector.shape_cast %mul3A : vector<1x7040xf32> to vector<1x1x7040xf32>
    tpu.vector_store %arg8[%swap3A, %swap3A_34, %swap3A_35], %swap3A_38 {strides = array<i32>} : memref<1x1x7040xf32, #tpu.memory_space<vmem>>, vector<1x1x7040xf32>,
    %broadcast_in_dim3A = arith.constant 0.000000e+00 : f32
    %broadcast_in_dim3A_39 = vector.broadcast %broadcast_in_dim3A : f32 to vector<7040x256xf32>
    %swap3A_40 = arith.constant 0 : index
    %swap3A_41 = arith.constant 0 : index
    %swap3A_42 = arith.constant 0 : index
    %swap3A_43 = vector.load %arg9[%swap3A_40, %swap3A_41, %swap3A_42] : memref<1x7040x256xf32, #tpu.memory_space<vmem>>, vector<1x7040x256xf32>
    %swap3A_44 = vector.shape_cast %swap3A_43 : vector<1x7040x256xf32> to vector<7040x256xf32>
    %swap3A_45 = vector.shape_cast %broadcast_in_dim3A_39 : vector<7040x256xf32> to vector<1x7040x256xf32>
    tpu.vector_store %arg9[%swap3A_40, %swap3A_41, %swap3A_42], %swap3A_45 {strides = array<i32>} : memref<1x7040x256xf32, #tpu.memory_space<vmem>>, vector<1x7040x256xf32>,
    return
  }
  func.func @transform_0(%arg0: i32, %arg1: i32) -> (i32, i32, i32) {
    %c0_i32 = arith.constant 0 : i32
    %c0_i32_0 = arith.constant 0 : i32
    return %arg0, %arg1, %c0_i32 : i32, i32, i32
  }
  func.func @transform_1(%arg0: i32, %arg1: i32) -> (i32, i32) {
    %c0_i32 = arith.constant 0 : i32
    %c0_i32_0 = arith.constant 0 : i32
    %c0_i32_1 = arith.constant 0 : i32
    return %c0_i32, %c0_i32_0 : i32, i32
  }
  func.func @transform_2(%arg0: i32, %arg1: i32) -> (i32, i32) {
    %c0_i32 = arith.constant 0 : i32
    %c0_i32_0 = arith.constant 0 : i32
    %c0_i32_1 = arith.constant 0 : i32
    return %c0_i32, %c0_i32_0 : i32, i32
  }
  func.func @transform_3(%arg0: i32, %arg1: i32) -> (i32, i32) {
    %c0_i32 = arith.constant 0 : i32
    %c0_i32_0 = arith.constant 0 : i32
    %c0_i32_1 = arith.constant 0 : i32
    return %c0_i32, %c0_i32_0 : i32, i32
  }
  func.func @transform_4(%arg0: i32, %arg1: i32) -> (i32, i32) {
    %c0_i32 = arith.constant 0 : i32
    %c0_i32_0 = arith.constant 0 : i32
    %c0_i32_1 = arith.constant 0 : i32
    return %c0_i32, %c0_i32_0 : i32, i32
  }
  func.func @transform_5(%arg0: i32, %arg1: i32) -> (i32, i32, i32) {
    %c0_i32 = arith.constant 0 : i32
    %c0_i32_0 = arith.constant 0 : i32
    return %arg0, %c0_i32, %arg1 : i32, i32, i32
  }
  func.func @transform_6(%arg0: i32, %arg1: i32) -> (i32, i32, i32) {
    %c0_i32 = arith.constant 0 : i32
    %c0_i32_0 = arith.constant 0 : i32
    return %arg0, %c0_i32, %arg1 : i32, i32, i32
  }
  func.func @transform_7(%arg0: i32, %arg1: i32) -> (i32, i32, i32) {
    %c0_i32 = arith.constant 0 : i32
    %c0_i32_0 = arith.constant 0 : i32
    return %arg0, %arg1, %c0_i32 : i32, i32, i32
  }
}

module attributes {stable_mosaic.version = 14 : i64} {
  func.func @_thresh_kernel(%arg0: memref<4x1x35200xf32, #tpu.memory_space<vmem>>, %arg1: memref<4x1xf32, #tpu.memory_space<vmem>>) attributes {dimension_semantics = [], scalar_prefetch = 0 : i64, scratch_operands = 0 : i64, tpu.core_type = #tpu.core_type<tc>} {
    %get3A = arith.constant 0 : index
    %get3A_0 = arith.constant 0 : index
    %get3A_1 = arith.constant 0 : index
    %get3A_2 = vector.load %arg0[%get3A, %get3A_0, %get3A_1] : memref<4x1x35200xf32, #tpu.memory_space<vmem>>, vector<4x1x35200xf32>
    %bitcast_convert_type3A = tpu.bitcast %get3A_2 : vector<4x1x35200xf32> -> vector<4x1x35200xi32>
    %broadcast_in_dim3A = arith.constant 0 : i32
    %broadcast_in_dim3A_3 = vector.broadcast %broadcast_in_dim3A : i32 to vector<4x1x1xi32>
    %broadcast_in_dim3A_4 = arith.constant 2139095040 : i32
    %broadcast_in_dim3A_5 = vector.broadcast %broadcast_in_dim3A_4 : i32 to vector<4x1x1xi32>
    %scan3A = arith.constant 0 : i32
    %scan3A_6 = arith.constant 31 : i32
    %scan3A_7 = arith.addi %scan3A, %scan3A_6 : i32
    %scan3A_8 = arith.constant 1 : i32
    %scan3A_9:2 = scf.for %scan3A_13 = %scan3A to %scan3A_7 step %scan3A_8 iter_args(%scan3A_14 = %broadcast_in_dim3A_3, %scan3A_15 = %broadcast_in_dim3A_5) -> (vector<4x1x1xi32>, vector<4x1x1xi32>)  : i32 {
      %sub3A = arith.subi %scan3A_15, %scan3A_14 : vector<4x1x1xi32>
      %jit3A = arith.constant 2 : i32
      %div3A = vector.broadcast %jit3A : i32 to vector<4x1x1xi32>
      %div3A_16 = arith.divsi %sub3A, %div3A : vector<4x1x1xi32>
      %sign3A = arith.constant 0 : i32
      %sign3A_17 = vector.broadcast %sign3A : i32 to vector<4x1x1xi32>
      %sign3A_18 = arith.cmpi sgt, %sub3A, %sign3A_17 : vector<4x1x1xi32>
      %sign3A_19 = arith.extui %sign3A_18 : vector<4x1x1xi1> to vector<4x1x1xi32>
      %sign3A_20 = arith.constant 0 : i32
      %sign3A_21 = vector.broadcast %sign3A_20 : i32 to vector<4x1x1xi32>
      %sign3A_22 = arith.cmpi slt, %sub3A, %sign3A_21 : vector<4x1x1xi32>
      %sign3A_23 = arith.extui %sign3A_22 : vector<4x1x1xi1> to vector<4x1x1xi32>
      %sign3A_24 = arith.subi %sign3A_19, %sign3A_23 : vector<4x1x1xi32>
      %sign3A_25 = arith.constant 0 : i32
      %sign3A_26 = arith.cmpi sgt, %jit3A, %sign3A_25 : i32
      %sign3A_27 = arith.extui %sign3A_26 : i1 to i32
      %sign3A_28 = arith.constant 0 : i32
      %sign3A_29 = arith.cmpi slt, %jit3A, %sign3A_28 : i32
      %sign3A_30 = arith.extui %sign3A_29 : i1 to i32
      %sign3A_31 = arith.subi %sign3A_27, %sign3A_30 : i32
      %ne3A = vector.broadcast %sign3A_31 : i32 to vector<4x1x1xi32>
      %ne3A_32 = arith.cmpi ne, %sign3A_24, %ne3A : vector<4x1x1xi32>
      %rem3A = vector.broadcast %jit3A : i32 to vector<4x1x1xi32>
      %rem3A_33 = arith.remsi %sub3A, %rem3A : vector<4x1x1xi32>
      %ne3A_34 = arith.constant 0 : i32
      %ne3A_35 = vector.broadcast %ne3A_34 : i32 to vector<4x1x1xi32>
      %ne3A_36 = arith.cmpi ne, %rem3A_33, %ne3A_35 : vector<4x1x1xi32>
      %and3A = arith.andi %ne3A_32, %ne3A_36 : vector<4x1x1xi1>
      %sub3A_37 = arith.constant 1 : i32
      %sub3A_38 = vector.broadcast %sub3A_37 : i32 to vector<4x1x1xi32>
      %sub3A_39 = arith.subi %div3A_16, %sub3A_38 : vector<4x1x1xi32>
      %select_n3A = arith.select %and3A, %sub3A_39, %div3A_16 : vector<4x1x1xi1>, vector<4x1x1xi32>
      %add3A = arith.addi %scan3A_14, %select_n3A : vector<4x1x1xi32>
      %ge3A = vector.broadcast %add3A : vector<4x1x1xi32> to vector<4x1x35200xi32>
      %ge3A_40 = arith.cmpi sge, %bitcast_convert_type3A, %ge3A : vector<4x1x35200xi32>
      %convert_element_type3A = arith.extui %ge3A_40 : vector<4x1x35200xi1> to vector<4x1x35200xi32>
      %reduce_sum3A = arith.constant dense<0> : vector<4xi32>
      %reduce_sum3A_41 = vector.multi_reduction <add>, %convert_element_type3A, %reduce_sum3A [1, 2] : vector<4x1x35200xi32> to vector<4xi32>
      %broadcast_in_dim3A_42 = vector.shape_cast %reduce_sum3A_41 : vector<4xi32> to vector<4x1x1xi32>
      %ge3A_43 = arith.constant 3520 : i32
      %ge3A_44 = vector.broadcast %ge3A_43 : i32 to vector<4x1x1xi32>
      %ge3A_45 = arith.cmpi sge, %broadcast_in_dim3A_42, %ge3A_44 : vector<4x1x1xi32>
      %select_n3A_46 = arith.select %ge3A_45, %add3A, %scan3A_14 : vector<4x1x1xi1>, vector<4x1x1xi32>
      %select_n3A_47 = arith.select %ge3A_45, %scan3A_15, %add3A : vector<4x1x1xi1>, vector<4x1x1xi32>
      scf.yield %select_n3A_46, %select_n3A_47 : vector<4x1x1xi32>, vector<4x1x1xi32>
    }
    %reshape3A = vector.shape_cast %scan3A_9#0 : vector<4x1x1xi32> to vector<4x1xi32>
    %bitcast_convert_type3A_10 = tpu.bitcast %reshape3A : vector<4x1xi32> -> vector<4x1xf32>
    %swap3A = arith.constant 0 : index
    %swap3A_11 = arith.constant 0 : index
    %swap3A_12 = vector.load %arg1[%swap3A, %swap3A_11] : memref<4x1xf32, #tpu.memory_space<vmem>>, vector<4x1xf32>
    tpu.vector_store %arg1[%swap3A, %swap3A_11], %bitcast_convert_type3A_10 {strides = array<i32>} : memref<4x1xf32, #tpu.memory_space<vmem>>, vector<4x1xf32>,
    return
  }
}

</mosaic_0001>

<sc_bundles>
// kernel: kernel.5.cloned.1.call-start
scs
__scs_entry_jumppad:
0x0: {  	(pc) =	sbr.rel $0x88, $3  }
0x1: {  	(tag) =	ssettag $0x0;
	lr =	simm.s32 $0x1  }
0x2: {  	[smem:$0x3F9B] =	sst lr;
	_ =	strace $0xD0000000  }
0x3: {  	_ = 	snop  }
0x4: {  	_ = 	snop  }
0x5: {  	_ = 	snop  }
0x6: {  	_ = 	snop  }
0x7: {  	_ = 	snop  }
__scs_overlays_trampoline_lowered:
0x8: {  	[smem:$0x3FAA] =	sst s0  }
0x9: {  	[smem:$0x3FAB] =	sst s1  }
0xa: {  	[smem:$0x3FAC] =	sst s2  }
0xb: {  	[smem:$0x3FAD] =	sst s3  }
0xc: {  	[smem:$0x3FAE] =	sst s4  }
0xd: {  	[smem:$0x3FAF] =	sst s5  }
0xe: {  	[smem:$0x3FB0] =	sst s6  }
0xf: {  	[smem:$0x3FB1] =	sst s7  }
0x10: {  	[smem:$0x3FB2] =	sst s8  }
0x11: {  	[smem:$0x3FB3] =	sst s9;
	s0 =	simm.s32 @!p0 $0x0  }
0x12: {  	s1 =	sld [smem:$0x3F99];
	s0 =	simm.s32 @p0 $0x1  }
0x13: {  	[smem:$0x3FB4] =	sst s0;
	s0 =	simm.s32 @!p1 $0x0  }
0x14: {  	s2 =	sld [smem:$0x3F98];
	s0 =	simm.s32 @p1 $0x1  }
0x15: {  	[smem:$0x3FB5] =	sst s0;
	s0 =	simm.s32 @!p2 $0x0  }
0x16: {  	s3 =	sld [smem:$0x3FDB];
	s0 =	simm.s32 @p2 $0x1  }
0x17: {  	s4 =	simm.s32 $0x1BF5;
	[smem:$0x3FB7] =	sst s0  }
0x18: {  	s0 =	sld [smem:$0x3F9A];
	_ =	swait.ge [sflag:s4], $0x0  }
0x19: {  	s7 =	sld [smem:$0x3F9B]  }
0x1a: {  	s8 =	sadd.s32 $0xFFFFE003, lr  }
0x1b: {  	s9 =	sadd.s32 $0xFFFFFEF7, lr;
	s5 =	simm.s32 $0xFFFFFFFF;
	p2 =	slt.u32 s8, $0xFFFFF086  }
0x1c: {  	p1 =	slt.u32 s9, $0xF7A;
	s5 =	simm.s32 @!p2 $0x0  }
0x1d: {  	s5 =	simm.s32 @p1 $0x1;
	p0 =	seq.s32 s7, s2  }
0x1e: {  	s7 =	smul.u32 @!p0 $0xF7A, s2;
	p2 =	seq.s32 @!p0 s5, $0x0  }
0x1f: {  	s9 =	smul.u32 $0xF7A, s1;
	s8 =	simm.s32 @!p0 $0x1BF5;
	p2 =	por !p2, p0  }
0x20: {  	[sflag:s8] =	ssyncset.s32 @!p0 $0xFFFFF086;
	s6 =	sadd.s32 @!p0 s3, s7;
	s7 =	simm.s32 @!p0 $0x108  }
0x21: {  	s3 =	sadd.s32 s3, s9;
	s6 =	sadd.s32 @!p0 $0x88, s6;
	s7 =	simm.s32 @p2 $0x1082  }
0x22: {  	[simem:s7], [sflag:s8] =	dma.local @!p0 [hbm:s6], $0xF7A  }
0x23: {  	s9 =	sor.u32 $0xD0000000, s2;
	s6 =	simm.s32 $0x108;
	_ =	swait.ge @!p0 [sflag:s8], $0x0  }
0x24: {  	s3 =	sadd.s32 $0x88, s3;
	s6 =	simm.s32 @!p1 $0x1082;
	[sflag:s4] =	ssyncset.s32 $0xFFFFF086  }
0x25: {  	[simem:s6], [sflag:s4] =	dma.local [hbm:s3], $0xF7A  }
0x26: {  	[smem:$0x3F9B] =	sst s1;
	(tag) =	ssettag s2;
	_ =	strace s9  }
0x27: {  	s1 =	sld [smem:$0x3FAB]  }
0x28: {  	s2 =	sld [smem:$0x3FAC]  }
0x29: {  	s4 =	sld [smem:$0x3FAE]  }
0x2a: {  	p0 =	seq.s32 s5, $0x0;
	s5 =	sld [smem:$0x3FAF]  }
0x2b: {  	s6 =	sld [smem:$0x3FB0]  }
0x2c: {  	s7 =	sld [smem:$0x3FB1]  }
0x2d: {  	s3 =	simm.s32 $0x108;
	s8 =	sld [smem:$0x3FB2]  }
0x2e: {  	s3 =	simm.s32 @!p0 $0x1082;
	s9 =	sld [smem:$0x3FB3]  }
0x2f: {  	lr =	sadd.s32 s0, s3;
	s0 =	sld [smem:$0x3FAA]  }
0x30: {  	s3 =	sld [smem:$0x3FAD]  }
0x31: {  	[smem:$0x3FB6] =	sst s10  }
0x32: {  	s10 =	sld [smem:$0x3FB4];
	_ =	sdelay $0x3  }
0x33: {  	p0 =	seq.s32 s10, $0x1;
	s10 =	sld [smem:$0x3FB6];
	_ =	sdelay $0x3  }
0x34: {  	[smem:$0x3FB6] =	sst s10  }
0x35: {  	s10 =	sld [smem:$0x3FB5];
	_ =	sdelay $0x3  }
0x36: {  	p1 =	seq.s32 s10, $0x1;
	s10 =	sld [smem:$0x3FB6];
	_ =	sdelay $0x3  }
0x37: {  	[smem:$0x3FB6] =	sst s10  }
0x38: {  	s10 =	sld [smem:$0x3FB7]  }
0x39: {  	_ = 	snop;
	(pc) =	sbr.ind lr, $3  }
0x3a: {  	_ = 	snop  }
0x3b: {  	_ = 	snop  }
0x3c: {  	p2 =	seq.s32 s10, $0x1;
	s10 =	sld [smem:$0x3FB6]  }
0x3d: {  	_ =	shalt  }
0x3e: {  	_ =	shalt  }
0x3f: {  	_ =	shalt  }
0x40: {  	_ =	shalt  }
0x41: {  	_ =	shalt  }
0x42: {  	_ =	shalt  }
0x43: {  	_ =	shalt  }
0x44: {  	_ =	shalt  }
0x45: {  	_ =	shalt  }
0x46: {  	_ =	shalt  }
0x47: {  	_ =	shalt  }
0x48: {  	_ =	shalt  }
0x49: {  	_ =	shalt  }
0x4a: {  	_ =	shalt  }
0x4b: {  	_ =	shalt  }
0x4c: {  	_ =	shalt  }
0x4d: {  	_ =	shalt  }
0x4e: {  	_ =	shalt  }
0x4f: {  	_ =	shalt  }
0x50: {  	_ =	shalt  }
0x51: {  	_ =	shalt  }
0x52: {  	_ =	shalt  }
0x53: {  	_ =	shalt  }
0x54: {  	_ =	shalt  }
0x55: {  	_ =	shalt  }
0x56: {  	_ =	shalt  }
0x57: {  	_ =	shalt  }
0x58: {  	_ =	shalt  }
0x59: {  	_ =	shalt  }
0x5a: {  	_ =	shalt  }
0x5b: {  	_ =	shalt  }
0x5c: {  	_ =	shalt  }
0x5d: {  	_ =	shalt  }
0x5e: {  	_ =	shalt  }
0x5f: {  	_ =	shalt  }
0x60: {  	_ =	shalt  }
0x61: {  	_ =	shalt  }
0x62: {  	_ =	shalt  }
0x63: {  	_ =	shalt  }
0x64: {  	_ =	shalt  }
0x65: {  	_ =	shalt  }
0x66: {  	_ =	shalt  }
0x67: {  	_ =	shalt  }
0x68: {  	_ =	shalt  }
0x69: {  	_ =	shalt  }
0x6a: {  	_ =	shalt  }
0x6b: {  	_ =	shalt  }
0x6c: {  	_ =	shalt  }
0x6d: {  	_ =	shalt  }
0x6e: {  	_ =	shalt  }
0x6f: {  	_ =	shalt  }
0x70: {  	_ =	shalt  }
0x71: {  	_ =	shalt  }
0x72: {  	_ =	shalt  }
0x73: {  	_ =	shalt  }
0x74: {  	_ =	shalt  }
0x75: {  	_ =	shalt  }
0x76: {  	_ =	shalt  }
0x77: {  	_ =	shalt  }
0x78: {  	_ =	shalt  }
0x79: {  	_ =	shalt  }
0x7a: {  	_ =	shalt  }
0x7b: {  	_ =	shalt  }
0x7c: {  	_ =	shalt  }
0x7d: {  	_ =	shalt  }
0x7e: {  	_ =	shalt  }
0x7f: {  	_ =	shalt  }
0x80: {  	_ =	shalt  }
0x81: {  	_ =	shalt  }
0x82: {  	_ =	shalt  }
0x83: {  	_ =	shalt  }
0x84: {  	_ =	shalt  }
0x85: {  	_ =	shalt  }
0x86: {  	_ =	shalt  }
0x87: {  	_ =	shalt  }
.Lfunc_end0:
.L_simem_size_0:
called_computation_lowered:
.L_overlay_start_0:
0x88: {  	s2 =	sld [smem:$0x3FD9]  }
0x89: {  	s3 =	sld [smem:$0x3FFE];
	_ =	sdelay $0x1  }
0x8a: {  	s1 =	srdreg.scid  }
0x8b: {  	s0 =	sand.u32 $0x1, s1  }
0x8c: {  	s17 =	sshll.u32 s0, $0xA;
	s2 =	sadd.s32 s3, s2  }
0x8d: {  	s2 =	sadd.s32 s2, s17  }
0x8e: {  	[smem:$0x3FC2] =	sst s2  }
0x8f: {  	_ = 	snop  }
0x90: {  	s2 =	sld [smem:$0x3FC9]  }
0x91: {  	s18 =	sld [smem:$0x3FD0];
	(tm) =	ssettm $0x1  }
0x92: {  	s4 =	sld [smem:$0x3FFB];
	_ =	sdelay $0x3  }
0x93: {  	_ =	strace s4  }
0x94: {  	s4 =	sld [smem:$0x3FFC];
	_ =	sdelay $0x3  }
0x95: {  	_ =	strace s4  }
0x96: {  	s4 =	sld [smem:$0x3FFD];
	_ =	sdelay $0x3  }
0x97: {  	_ =	strace s4  }
0x98: {  	_ =	strace $0x8FFFFFFF  }
0x99: {  	s19 =	sld [smem:$0x3FDB];
	_ =	sdelay $0x1  }
0x9a: {  	s5 =	simm.s32 $_scs_section_size  }
0x9b: {  	s6 =	simm.s32 $_size__tile_overlayer_lowered;
	s7 =	simm.s32 $_tile_overlayer_lowered  }
0x9c: {  	s22 =	simm.s32 $0x1BFF;
	s21 =	sshll.u32 s7, $0x1;
	s4 =	sadd.s32 s5, s19  }
0x9d: {  	s8 =	simm.s32 $0x0;
	s20 =	sshll.u32 s6, $0x1;
	s6 =	sadd.s32 s21, s4  }
0x9e: {  	[timem:s8], [sflag:s22] =	dma.local [hbm:s6], s20  }
0x9f: {  	_ =	swait.ge [sflag:s22], s20  }
0xa0: {  	s5 =	ssub.s32 $0x0, s20;
	[sflag:s22] =	ssyncset.done $0x0  }
0xa1: {  	[sflag:s22] =	ssyncadd.s32 s5;
	_ =	sdelay $0x1  }
0xa2: {  	s23 =	simm.s32 $0x1B8B  }
0xa3: {  	_ =	swait.ge [sflag:s23], $0x1  }
0xa4: {  	[sflag:s23] =	ssyncset.done $0x0  }
0xa5: {  	s25 =	simm.s32 $0x1B8E;
	s24 =	sld [smem:$0x3FFE];
	[sflag:s23] =	ssyncadd.s32 $0xFFFFFFFF  }
0xa6: {  	s26 =	simm.s32 $execute0_lowered;
	[smem:$0x3FD2] =	sst s25  }
0xa7: {  	s6 =	sshll.u32 s26, $0x1;
	_ =	strace $0x80000046;
	[dreg:$0x1] =	wrdreg $0xFFFFFFFF  }
0xa8: {  	s28 =	simm.s32 $_size_execute0_lowered;
	s4 =	sadd.s32 s4, s6;
	[dreg:$0x0] =	wrdreg $0x0  }
0xa9: {  	s6 =	sshll.u32 s28, $0x1;
	[dreg:$0x2] =	wrdreg s4  }
0xaa: {  	[dreg:$0x3] =	wrdreg s6  }
0xab: {  	[dreg:$0x4] =	wrdreg $0xC0  }
0xac: {  	_ =	task [dreg:s8], $0x5FFFF  }
0xad: {  	[dreg:$0x1] =	wrdreg $0xFFFFFFFF  }
0xae: {  	[dreg:$0x0] =	wrdreg $0x60  }
0xaf: {  	[dreg:$0x2] =	wrdreg s2  }
0xb0: {  	[dreg:$0x3] =	wrdreg s24  }
0xb1: {  	[dreg:$0x4] =	wrdreg s18  }
0xb2: {  	[dreg:$0x5] =	wrdreg $0x9  }
0xb3: {  	_ =	task.clear_ibuf [dreg:s8], $0x6FFFF;
	_ =	strace $0x90000046  }
0xb4: {  	s29 =	simm.s32 $0x9;
	_ =	strace $0x80000048  }
0xb5: {  	_ =	swait.ge [sflag:s29], $0x1  }
0xb6: {  	[sflag:s29] =	ssyncadd.s32 $0xFFFFFFFF  }
0xb7: {  	_ =	strace $0x90000048  }
0xb8: {  	_ =	sfence  }
0xb9: {  	s30 =	sld [smem:$0x0];
	_ =	sdelay $0x2  }
0xba: {  	s31 =	sshll.u32 s1, $0xD;
	s1 =	sshrl.u32 s1, $0x2  }
0xbb: {  	s3 =	sand.u32 $0x4000, s31;
	s1 =	sadd.s32 s1, s30  }
0xbc: {  	s0 =	sor.u32 s3, s0;
	s1 =	sshll.u32 s1, $0x11  }
0xbd: {  	s0 =	sor.u32 s1, s0  }
0xbe: {  	s0 =	sadd.s32 $0x8F2B, s0  }
0xbf: {  	[sflag:s0] =	ssyncadd.remote.s32 $0x1  }
0xc0: {  	_ =	sfence.sel $0xFFFF  }
0xc1: {  	[dreg:$0x0] =	wrdreg $0xFFFFFFFF;
	(pc) =	sbr.abs _section_cstart, $3  }
0xc2: {  	[dreg:$0x1] =	wrdreg $0xFFFFFFFF  }
0xc3: {  	_ =	task.clear_ibuf [dreg:s8], $0x2FFFF;
	_ =	strace $0x9FFFFFFF  }
0xc4: {  	(tm) =	ssettm $0x7FFFFFFF  }
0xc5: {  	_ =	shalt  }
tec
execute0_lowered:
.L_overlay_start_1:
0x0: {  	(tag) =	ssettag $0x1  }
0x1: {  	s1 =	rddreg [dreg:$0x0]  }
0x2: {  	s0 =	rddreg [dreg:$0x1]  }
0x3: {  	s3 =	rddreg [dreg:$0x2];
	s2 =	srdreg.scid  }
0x4: {  	s9 =	stileid.u32;
	s4 =	simm.s32 $0x0;
	s11 =	simm.s32 $0x1  }
0x5: {  	s13 =	simm.s32 $0x3F00;
	s14 =	simm.s32 $0x4700;
	s15 =	simm.s32 $0x4F00  }
0x6: {  	s16 =	simm.s32 $0x5700;
	s17 =	simm.s32 $0x5F00;
	s18 =	simm.s32 $0x6700  }
0x7: {  	s19 =	simm.s32 $0x6F00;
	s20 =	simm.s32 $0x7800;
	s21 =	simm.s32 $0x8000  }
0x8: {  	s22 =	simm.s32 $0x8800;
	s28 =	simm.s32 $0xB000;
	s29 =	simm.s32 $0x2  }
0x9: {  	s30 =	simm.s32 $0x3;
	s31 =	simm.s32 $0x4;
	s2 =	sand.u32 $0x1, s2  }
0xa: {  	s5 =	sshll.u32 s9, $0x1;
	[smem:$0x7FF] =	sst s4;
	s7 =	sadd.s32 $0x4600, s0  }
0xb: {  	s8 =	smul.u32 $0x2260, s9;
	s24 =	sshrl.u32 s9, $0x2;
	s9 =	simm.s32 $0x0  }
0xc: {  	s5 =	sor.u32 s2, s5;
	s6 =	ssub.s32 $0x2, s2;
	s2 =	smul.u32 $0x1130, s2  }
0xd: {  	_ =	strace $0x80000047;
	[dreg:$0x4] =	wrdreg s7;
	s5 =	smul.u32 $0x1130, s5  }
.Ltmp0:
0xe: {  	v1 =	vmov s24;
	s24 =	simm.s32 $0x9800;
	s23 =	sshrl.u32 s6, $0x1;
	(pc) =	sbr.rel .LBB2_1-.Ltmp0, $4  }
0xf: {  	v0 =	vlaneseq.u32;
	s6 =	ssub.s32 s6, s23;
	s26 =	sadd.s32 s2, s8;
	s23 =	simm.s32 $0x9000  }
0x10: {  	vm3 =	vmmov $0xffff;
	v2 =	vshrl.u32 v0, $0x3;
	s5 =	sshrl.u32 s5, $0x3;
	s25 =	smax.u32 s6, $0x1;
	[dreg:$0x7] =	wrdreg s26  }
0x11: {  	v3 =	vor.u32 $0x8, v0;
	v2 =	vmul.u32 $0x8, v2;
	vm0 =	veq.s32 v1, $0x2;
	s2 =	simm.s32 $0x0;
	s0 =	sadd.s32 s0, s5;
	[dreg:$0x6] =	wrdreg s25  }
0x12: {  	vm1 =	veq.s32 v1, $0x1;
	vm2 =	veq.s32 v1, $0x0;
	v1 =	vand.u32 $0x7, v0;
	s26 =	simm.s32 $0xA800;
	s25 =	simm.s32 $0xA000;
	[dreg:$0x5] =	wrdreg s0  }
.LBB2_9:
0x13: {  	s2 =	rddreg [dreg:$0x8]  }
0x14: {  	s0 =	rddreg [dreg:$0x6];
	s2 =	sadd.s32 $0x1, s2  }
0x15: {  	p0 =	sne.s32 s2, s0  }
.Ltmp1:
0x16: {  	_ = 	snop;
	(pc) =	sbr.rel @!p0 .LBB2_10-.Ltmp1, $1  }
0x17: {  	_ =	sdelay $0x3  }
.LBB2_1:
0x18: {  	[dreg:$0x8] =	wrdreg s2  }
0x19: {  	s0 =	rddreg [dreg:$0x4];
	s7 =	simm.s32 $0x1180;
	s8 =	simm.s32 $0x5  }
0x1a: {  	[tilespmem:s7], [sflag:$0x5] =	stream.linear.gather [hbm4b:s0+s4], $0x80, $0x38;
	[tilespmem:$0xB800] =	vst v63  }
0x1b: {  	_ =	swait.ge [sflag:s8], $0x80  }
0x1c: {  	[sflag:s8] =	ssyncset.done $0x0  }
0x1d: {  	s10 =	rddreg [dreg:$0x5];
	[sflag:s8] =	ssyncadd.s32 $0xFFFFFF80  }
0x1e: {  	[tilespmem:s4], [sflag:$0x5] =	stream.linear.gather [hbm4b:s10+s4], $0x1130, $0x38;
	[tilespmem:$0xB800] =	vst v63  }
0x1f: {  	_ =	swait.ge [sflag:s8], $0x1130  }
0x20: {  	[sflag:s8] =	ssyncset.done $0x0  }
0x21: {  	[sflag:s8] =	ssyncadd.s32 $0xFFFFEED0  }
0x22: {  	v4 =	vld [tilespmem:$0x1180];
	_ =	sdelay $0x3  }
0x23: {  	s12 =	simm.s32 $0x0  }
0x24: {  	v7 =	vld [tilespmem:s12+$0x0];
	v5 =	vbroadcast v4, $0x2;
	v6 =	vbroadcast v4, $0x3  }
0x25: {  	v8 =	vbroadcast v4, $0x1  }
0x26: {  	v4 =	vbroadcast v4, $0x0;
	v5 =	vsel vm0, v5, v6  }
0x27: {  	v5 =	vsel vm1, v8, v5  }
0x28: {  	v4 =	vsel vm2, v4, v5  }
0x29: {  	vm4 =	vge.f32 v7, v4  }
0x2a: {  	v5 =	vmpcnt.ones.xlane vm4;
	_ =	sdelay $0x1  }
0x2b: {  	(v2sf) =	vpush v5, $0x0;
	_ =	sdelay $0x3  }
0x2c: {  	s2 =	rddreg [dreg:$0x7]  }
0x2d: {  	v6 =	vor.u32 s2, v0  }
0x2e: {  	[tilespmem:s4+$0x1200] =	vst.msk vm4, v6  }
0x2f: {  	s6 =	simm.s32 $0x80;
	s5 =	simm.s32 $0x0;
	s7 =	simm.s32 $0x10;
	[tilespmem:s4+$0x2400] =	vst.msk vm4, v7  }
.LBB2_2:
0x30: {  	p0 =	sne.s32 s6, $0x4480;
	v5 =	vld [tilespmem:s7+$0x0];
	_ =	sdelay $0x4  }
0x31: {  	vm4 =	vge.f32 v5, v4  }
0x32: {  	v6 =	vmpcnt.ones.xlane vm4  }
0x33: {  	s2 =	sadd.s32 $0x10, s2;
	s7 =	spop (v2sf)  }
0x34: {  	v7 =	vor.u32 s2, v0;
	(v2sf) =	vpush v6, $0x0;
	s5 =	sadd.s32 s5, s7  }
0x35: {  	[tilespmem:s5+$0x1200] =	vst.msk vm4, v7  }
0x36: {  	[tilespmem:s5+$0x2400] =	vst.msk vm4, v5  }
.Ltmp2:
0x37: {  	(pc) =	sbr.rel @p0 .LBB2_2-.Ltmp2, $2  }
0x38: {  	_ =	sdelay $0x2  }
0x39: {  	s7 =	sshra.s32 s6, $0x2;
	s6 =	sadd.s32 $0x40, s6  }
0x3a: {  	v5 =	vld [tilespmem:s7+$0x0];
	_ =	sdelay $0x4  }
0x3b: {  	vm4 =	vge.f32 v5, v4  }
0x3c: {  	v4 =	vmpcnt.ones.xlane vm4;
	_ =	sdelay $0x1  }
0x3d: {  	(v2sf) =	vpush v4, $0x0;
	_ =	sdelay $0xd  }
0x3e: {  	s6 =	spop (v2sf)  }
0x3f: {  	s5 =	sadd.s32 s5, s6;
	s7 =	spop (v2sf)  }
0x40: {  	s2 =	sadd.s32 $0x10, s2;
	s6 =	sadd.s32 s5, s7  }
0x41: {  	v4 =	vor.u32 s2, v0;
	s2 =	sadd.s32 $0xFFFFFFFF, s6  }
0x42: {  	[tilespmem:s5+$0x1200] =	vst.msk vm4, v4;
	p0 =	sgt.s32 s2, $0x0  }
0x43: {  	[tilespmem:s5+$0x2400] =	vst.msk vm4, v5;
	s2 =	simm.s32 @!p0 $0x0  }
0x44: {  	v4 =	vld.msk [tilespmem:s2+$0x1200 ss:$0x0], $0xffff  }
0x45: {  	v5 =	vld.msk [tilespmem:s2+$0x2400 ss:$0x0], $0xffff;
	_ =	sdelay $0x3  }
0x46: {  	[tilespmem:s6+$0x1200] =	vst v4  }
0x47: {  	[tilespmem:s6+$0x2400] =	vst v5  }
0x48: {  	[tilespmem:s6+$0x1210] =	vst v4  }
0x49: {  	s8 =	sadd.s32 $0x7F, s6;
	[tilespmem:s6+$0x2410] =	vst v5  }
0x4a: {  	s10 =	sand.u32 $0x7F, s8;
	[tilespmem:s6+$0x1220] =	vst v4  }
0x4b: {  	s12 =	sshra.s32 s8, $0x1F;
	p1 =	slt.s32 s8, $0x1;
	p6 =	sne.s32 s10, $0x0;
	[tilespmem:s6+$0x2420] =	vst v5  }
0x4c: {  	s5 =	sshrl.u32 s12, $0x19;
	p0 =	por !p1, !p6;
	[tilespmem:s6+$0x1230] =	vst v4  }
0x4d: {  	s2 =	sadd.s32 s5, s8;
	s5 =	simm.s32 $0x1;
	p0 =	por !p0, !p0;
	[tilespmem:s6+$0x2430] =	vst v5  }
0x4e: {  	s2 =	sshra.s32 s2, $0x7;
	s5 =	simm.s32 @!p0 $0x0;
	[tilespmem:s6+$0x1240] =	vst v4  }
0x4f: {  	s2 =	ssub.s32 s2, s5;
	[tilespmem:s6+$0x2440] =	vst v5  }
0x50: {  	p0 =	slt.s32 s2, $0x1;
	[tilespmem:s6+$0x1250] =	vst v4  }
.Ltmp3:
0x51: {  	[tilespmem:s6+$0x2450] =	vst v5;
	(pc) =	sbr.rel @p0 .LBB2_9-.Ltmp3, $4  }
0x52: {  	[tilespmem:s6+$0x1260] =	vst v4  }
0x53: {  	[tilespmem:s6+$0x2460] =	vst v5  }
0x54: {  	[tilespmem:s6+$0x1270] =	vst v4  }
0x55: {  	s5 =	simm.s32 $0x0;
	[tilespmem:s6+$0x2470] =	vst v5  }
.LBB2_4:
0x56: {  	s6 =	sshll.u32 s5, $0x7  }
0x57: {  	v4 =	vld [tilespmem:s6+$0x1200];
	_ =	sdelay $0x4  }
0x58: {  	[tilespmem:$0x3600] =	vst v4  }
0x59: {  	v4 =	vld [tilespmem:s6+$0x2400];
	_ =	sdelay $0x4  }
0x5a: {  	[tilespmem:$0x3680] =	vst v4  }
0x5b: {  	v4 =	vld [tilespmem:s6+$0x1210];
	_ =	sdelay $0x4  }
0x5c: {  	[tilespmem:$0x3610] =	vst v4  }
0x5d: {  	v4 =	vld [tilespmem:s6+$0x2410];
	_ =	sdelay $0x4  }
0x5e: {  	[tilespmem:$0x3690] =	vst v4  }
0x5f: {  	v4 =	vld [tilespmem:s6+$0x1220];
	_ =	sdelay $0x4  }
0x60: {  	[tilespmem:$0x3620] =	vst v4  }
0x61: {  	v4 =	vld [tilespmem:s6+$0x2420];
	_ =	sdelay $0x2  }
0x62: {  	v5 =	vld [tilespmem:$0x3600];
	_ =	sdelay $0x1  }
0x63: {  	[tilespmem:$0x36A0] =	vst v4  }
0x64: {  	v4 =	vld [tilespmem:s6+$0x1230];
	_ =	sdelay $0x1  }
0x65: {  	v6 =	vshll.u32 v5, $0x1  }
0x66: {  	v5 =	vand.u32 $0x7, v5;
	v6 =	vand.u32 $0xFFFFFFF0, v6  }
0x67: {  	v5 =	vor.u32 v5, v6  }
0x68: {  	[tilespmem:$0x3630] =	vst v4;
	v4 =	vperm.xlane v5, v1  }
0x69: {  	v6 =	vld [tilespmem:s6+$0x2430]  }
0x6a: {  	v5 =	vperm.xlane v5, v3;
	v4 =	vadd.s32 v2, v4;
	_ =	sdelay $0x1  }
0x6b: {  	v5 =	vadd.s32 v2, v5;
	_ =	sdelay $0x1  }
0x6c: {  	s0 =	simm.s32 $0x3700;
	[tilespmem:$0x36B0] =	vst v6  }
0x6d: {  	[tilespmem:s0], [sflag:$0x1] =	stream.indirect_vreg.gather [hbm4b:s1+s9], $0x80, v4, vm3, $0xb8;
	[tilespmem:$0xB800] =	vst v63  }
0x6e: {  	_ = 	snop  }
0x6f: {  	[tilespmem:s13], [sflag:$0x1] =	stream.indirect_vreg.gather [hbm4b:s1+s9], $0x80, v5, vm3, $0xb8;
	[tilespmem:$0xB800] =	vst v63  }
0x70: {  	v4 =	vld [tilespmem:$0x3610];
	_ =	sdelay $0x4  }
0x71: {  	v5 =	vshll.u32 v4, $0x1  }
0x72: {  	v4 =	vand.u32 $0x7, v4;
	v5 =	vand.u32 $0xFFFFFFF0, v5  }
0x73: {  	v4 =	vor.u32 v4, v5  }
0x74: {  	v5 =	vperm.xlane v4, v1;
	_ =	sdelay $0x1  }
0x75: {  	v4 =	vperm.xlane v4, v3;
	v5 =	vadd.s32 v2, v5;
	_ =	sdelay $0x1  }
0x76: {  	v4 =	vadd.s32 v2, v4;
	_ =	sdelay $0x2  }
0x77: {  	[tilespmem:s14], [sflag:$0x1] =	stream.indirect_vreg.gather [hbm4b:s1+s9], $0x80, v5, vm3, $0xb8;
	[tilespmem:$0xB800] =	vst v63  }
0x78: {  	_ = 	snop  }
0x79: {  	[tilespmem:s15], [sflag:$0x1] =	stream.indirect_vreg.gather [hbm4b:s1+s9], $0x80, v4, vm3, $0xb8;
	[tilespmem:$0xB800] =	vst v63  }
0x7a: {  	v4 =	vld [tilespmem:$0x3620];
	_ =	sdelay $0x4  }
0x7b: {  	v5 =	vshll.u32 v4, $0x1  }
0x7c: {  	v4 =	vand.u32 $0x7, v4;
	v5 =	vand.u32 $0xFFFFFFF0, v5  }
0x7d: {  	v4 =	vor.u32 v4, v5  }
0x7e: {  	v5 =	vperm.xlane v4, v1;
	_ =	sdelay $0x1  }
0x7f: {  	v4 =	vperm.xlane v4, v3;
	v5 =	vadd.s32 v2, v5;
	_ =	sdelay $0x1  }
0x80: {  	v4 =	vadd.s32 v2, v4;
	_ =	sdelay $0x2  }
0x81: {  	[tilespmem:s16], [sflag:$0x1] =	stream.indirect_vreg.gather [hbm4b:s1+s9], $0x80, v5, vm3, $0xb8;
	[tilespmem:$0xB800] =	vst v63  }
0x82: {  	_ = 	snop  }
0x83: {  	[tilespmem:s17], [sflag:$0x1] =	stream.indirect_vreg.gather [hbm4b:s1+s9], $0x80, v4, vm3, $0xb8;
	[tilespmem:$0xB800] =	vst v63  }
0x84: {  	v4 =	vld [tilespmem:$0x3630];
	_ =	sdelay $0x4  }
0x85: {  	v5 =	vshll.u32 v4, $0x1  }
0x86: {  	v4 =	vand.u32 $0x7, v4;
	v5 =	vand.u32 $0xFFFFFFF0, v5  }
0x87: {  	v4 =	vor.u32 v4, v5  }
0x88: {  	v5 =	vperm.xlane v4, v1;
	_ =	sdelay $0x1  }
0x89: {  	v4 =	vperm.xlane v4, v3;
	v5 =	vadd.s32 v2, v5;
	_ =	sdelay $0x1  }
0x8a: {  	v4 =	vadd.s32 v2, v4;
	_ =	sdelay $0x2  }
0x8b: {  	[tilespmem:s18], [sflag:$0x1] =	stream.indirect_vreg.gather [hbm4b:s1+s9], $0x80, v5, vm3, $0xb8;
	[tilespmem:$0xB800] =	vst v63  }
0x8c: {  	_ = 	snop  }
0x8d: {  	[tilespmem:s19], [sflag:$0x1] =	stream.indirect_vreg.gather [hbm4b:s1+s9], $0x80, v4, vm3, $0xb8;
	[tilespmem:$0xB800] =	vst v63  }
0x8e: {  	v4 =	vld [tilespmem:s6+$0x1240];
	_ =	sdelay $0x4  }
0x8f: {  	[tilespmem:$0x7700] =	vst v4  }
0x90: {  	v4 =	vld [tilespmem:s6+$0x2440];
	_ =	sdelay $0x4  }
0x91: {  	[tilespmem:$0x7780] =	vst v4  }
0x92: {  	v4 =	vld [tilespmem:s6+$0x1250];
	_ =	sdelay $0x4  }
0x93: {  	[tilespmem:$0x7710] =	vst v4  }
0x94: {  	v4 =	vld [tilespmem:s6+$0x2450];
	_ =	sdelay $0x4  }
0x95: {  	[tilespmem:$0x7790] =	vst v4  }
0x96: {  	v4 =	vld [tilespmem:s6+$0x1260];
	_ =	sdelay $0x4  }
0x97: {  	[tilespmem:$0x7720] =	vst v4  }
0x98: {  	v4 =	vld [tilespmem:s6+$0x2460];
	_ =	sdelay $0x2  }
0x99: {  	v5 =	vld [tilespmem:$0x7700];
	_ =	sdelay $0x1  }
0x9a: {  	[tilespmem:$0x77A0] =	vst v4  }
0x9b: {  	v4 =	vld [tilespmem:s6+$0x1270];
	_ =	sdelay $0x1  }
0x9c: {  	v6 =	vshll.u32 v5, $0x1  }
0x9d: {  	v5 =	vand.u32 $0x7, v5;
	v6 =	vand.u32 $0xFFFFFFF0, v6  }
0x9e: {  	v5 =	vor.u32 v5, v6  }
0x9f: {  	[tilespmem:$0x7730] =	vst v4;
	v4 =	vperm.xlane v5, v1  }
0xa0: {  	v6 =	vld [tilespmem:s6+$0x2470]  }
0xa1: {  	v5 =	vperm.xlane v5, v3;
	v4 =	vadd.s32 v2, v4;
	_ =	sdelay $0x1  }
0xa2: {  	v5 =	vadd.s32 v2, v5;
	_ =	sdelay $0x1  }
0xa3: {  	[tilespmem:$0x77B0] =	vst v6  }
0xa4: {  	[tilespmem:s20], [sflag:$0x2] =	stream.indirect_vreg.gather [hbm4b:s1+s9], $0x80, v4, vm3, $0xb8;
	[tilespmem:$0xB800] =	vst v63  }
0xa5: {  	_ = 	snop  }
0xa6: {  	[tilespmem:s21], [sflag:$0x2] =	stream.indirect_vreg.gather [hbm4b:s1+s9], $0x80, v5, vm3, $0xb8;
	[tilespmem:$0xB800] =	vst v63  }
0xa7: {  	v4 =	vld [tilespmem:$0x7710];
	_ =	sdelay $0x4  }
0xa8: {  	v5 =	vshll.u32 v4, $0x1  }
0xa9: {  	v4 =	vand.u32 $0x7, v4;
	v5 =	vand.u32 $0xFFFFFFF0, v5  }
0xaa: {  	v4 =	vor.u32 v4, v5  }
0xab: {  	v5 =	vperm.xlane v4, v1;
	_ =	sdelay $0x1  }
0xac: {  	v4 =	vperm.xlane v4, v3;
	v5 =	vadd.s32 v2, v5;
	_ =	sdelay $0x1  }
0xad: {  	v4 =	vadd.s32 v2, v4;
	_ =	sdelay $0x2  }
0xae: {  	[tilespmem:s22], [sflag:$0x2] =	stream.indirect_vreg.gather [hbm4b:s1+s9], $0x80, v5, vm3, $0xb8;
	[tilespmem:$0xB800] =	vst v63  }
0xaf: {  	_ = 	snop  }
0xb0: {  	[tilespmem:s23], [sflag:$0x2] =	stream.indirect_vreg.gather [hbm4b:s1+s9], $0x80, v4, vm3, $0xb8;
	[tilespmem:$0xB800] =	vst v63  }
0xb1: {  	v4 =	vld [tilespmem:$0x7720];
	_ =	sdelay $0x4  }
0xb2: {  	v5 =	vshll.u32 v4, $0x1  }
0xb3: {  	v4 =	vand.u32 $0x7, v4;
	v5 =	vand.u32 $0xFFFFFFF0, v5  }
0xb4: {  	v4 =	vor.u32 v4, v5  }
0xb5: {  	v5 =	vperm.xlane v4, v1;
	_ =	sdelay $0x1  }
0xb6: {  	v4 =	vperm.xlane v4, v3;
	v5 =	vadd.s32 v2, v5;
	_ =	sdelay $0x1  }
0xb7: {  	v4 =	vadd.s32 v2, v4;
	_ =	sdelay $0x2  }
0xb8: {  	[tilespmem:s24], [sflag:$0x2] =	stream.indirect_vreg.gather [hbm4b:s1+s9], $0x80, v5, vm3, $0xb8;
	[tilespmem:$0xB800] =	vst v63  }
0xb9: {  	_ = 	snop  }
0xba: {  	[tilespmem:s25], [sflag:$0x2] =	stream.indirect_vreg.gather [hbm4b:s1+s9], $0x80, v4, vm3, $0xb8;
	[tilespmem:$0xB800] =	vst v63  }
0xbb: {  	v4 =	vld [tilespmem:$0x7730];
	_ =	sdelay $0x4  }
0xbc: {  	v5 =	vshll.u32 v4, $0x1  }
0xbd: {  	v4 =	vand.u32 $0x7, v4;
	v5 =	vand.u32 $0xFFFFFFF0, v5  }
0xbe: {  	v4 =	vor.u32 v4, v5  }
0xbf: {  	v5 =	vperm.xlane v4, v1;
	_ =	sdelay $0x1  }
0xc0: {  	v4 =	vperm.xlane v4, v3;
	v5 =	vadd.s32 v2, v5;
	_ =	sdelay $0x1  }
0xc1: {  	v4 =	vadd.s32 v2, v4;
	_ =	sdelay $0x2  }
0xc2: {  	[tilespmem:s26], [sflag:$0x2] =	stream.indirect_vreg.gather [hbm4b:s1+s9], $0x80, v5, vm3, $0xb8;
	[tilespmem:$0xB800] =	vst v63  }
0xc3: {  	_ = 	snop  }
0xc4: {  	[tilespmem:s28], [sflag:$0x2] =	stream.indirect_vreg.gather [hbm4b:s1+s9], $0x80, v4, vm3, $0xb8;
	[tilespmem:$0xB800] =	vst v63  }
0xc5: {  	_ =	swait.ge [sflag:s11], $0x4000  }
0xc6: {  	s12 =	sand.u32 $0x3800, s9;
	s7 =	sand.u32 $0x380, s9;
	[sflag:s11] =	ssyncset.done $0x0  }
0xc7: {  	s6 =	sor.u32 s7, s12;
	[sflag:s11] =	ssyncadd.s32 $0xFFFFC000  }
0xc8: {  	s7 =	simm.s32 $0x3680;
	v9 =	vld [tilespmem:s6+$0x3B70]  }
0xc9: {  	v4 =	vld.msk [tilespmem:s7+$0x0 ss:$0x0], $0xffff  }
0xca: {  	v5 =	vld [tilespmem:s6+$0x3B60]  }
0xcb: {  	v10 =	vld [tilespmem:s6+$0x3B30]  }
0xcc: {  	v8 =	vld [tilespmem:s6+$0x3B50]  }
0xcd: {  	v7 =	vld [tilespmem:s6+$0x3720]  }
0xce: {  	s8 =	simm.s32 $0x100;
	s10 =	simm.s32 $0x0;
	v6 =	vld [tilespmem:s6+$0x3B10]  }
.LBB2_5:
0xcf: {  	p0 =	sne.s32 s8, $0x3F00;
	v11 =	vld [tilespmem:s6+$0x3760];
	v9 =	vmul.f32 v9, v4;
	s10 =	sadd.s32 $0x80, s10;
	s7 =	sadd.s32 $0x1, s7  }
0xd0: {  	s0 =	smov.u32 s8;
	s8 =	sadd.s32 $0x100, s8;
	v12 =	vld [tilespmem:s6+$0x3B00];
	v10 =	vmul.f32 v10, v4  }
0xd1: {  	v13 =	vld [tilespmem:s6+$0x3750];
	v8 =	vmul.f32 v8, v4;
	[tilespmem:s6+$0x3B70] =	vst v9  }
0xd2: {  	v7 =	vmul.f32 v7, v4;
	v9 =	vld [tilespmem:s6+$0x3740];
	[tilespmem:s6+$0x3B30] =	vst v10  }
0xd3: {  	v6 =	vmul.f32 v6, v4;
	v10 =	vld [tilespmem:s6+$0x3B40];
	[tilespmem:s6+$0x3B50] =	vst v8  }
0xd4: {  	[tilespmem:s6+$0x3720] =	vst v7;
	v7 =	vmul.f32 v11, v4;
	v8 =	vld [tilespmem:s6+$0x3B20]  }
0xd5: {  	v11 =	vld [tilespmem:s6+$0x3700];
	v12 =	vmul.f32 v12, v4;
	[tilespmem:s6+$0x3B10] =	vst v6  }
0xd6: {  	v6 =	vld [tilespmem:s6+$0x3710];
	v13 =	vmul.f32 v13, v4;
	[tilespmem:s6+$0x3760] =	vst v7  }
0xd7: {  	v7 =	vld [tilespmem:s6+$0x3730];
	v9 =	vmul.f32 v9, v4;
	[tilespmem:s6+$0x3B00] =	vst v12  }
0xd8: {  	[tilespmem:s6+$0x3750] =	vst v13;
	v12 =	vld [tilespmem:s6+$0x3770];
	v10 =	vmul.f32 v10, v4  }
0xd9: {  	[tilespmem:s6+$0x3740] =	vst v9;
	v8 =	vmul.f32 v8, v4  }
0xda: {  	v9 =	vmul.f32 v4, v11;
	[tilespmem:s6+$0x3B40] =	vst v10  }
0xdb: {  	v6 =	vmul.f32 v6, v4;
	[tilespmem:s6+$0x3B20] =	vst v8  }
0xdc: {  	[tilespmem:s6+$0x3700] =	vst v9;
	v7 =	vmul.f32 v7, v4  }
0xdd: {  	[tilespmem:s6+$0x3710] =	vst v6;
	v6 =	vmul.f32 v12, v4;
	v4 =	vmul.f32 v5, v4  }
0xde: {  	s0 =	sand.u32 $0x3800, s0;
	s12 =	sand.u32 $0x380, s10;
	[tilespmem:s6+$0x3730] =	vst v7  }
0xdf: {  	s0 =	sor.u32 s12, s0;
	[tilespmem:s6+$0x3B60] =	vst v4  }
0xe0: {  	v9 =	vld [tilespmem:s0+$0x3B70];
	[tilespmem:s6+$0x3770] =	vst v6;
	s6 =	smov.u32 s0  }
0xe1: {  	v4 =	vld.msk [tilespmem:s7+$0x0 ss:$0x0], $0xffff  }
.Ltmp4:
0xe2: {  	v5 =	vld [tilespmem:s6+$0x3B60];
	(pc) =	sbr.rel @p0 .LBB2_5-.Ltmp4, $4  }
0xe3: {  	v10 =	vld [tilespmem:s6+$0x3B30]  }
0xe4: {  	v8 =	vld [tilespmem:s6+$0x3B50]  }
0xe5: {  	v7 =	vld [tilespmem:s6+$0x3720]  }
0xe6: {  	v6 =	vld [tilespmem:s6+$0x3B10]  }
0xe7: {  	v9 =	vmul.f32 v9, v4  }
0xe8: {  	v11 =	vld [tilespmem:s6+$0x3760];
	v5 =	vmul.f32 v5, v4  }
0xe9: {  	v12 =	vld [tilespmem:s6+$0x3B00];
	v10 =	vmul.f32 v10, v4;
	[tilespmem:s6+$0x3B70] =	vst v9  }
0xea: {  	v9 =	vld [tilespmem:s6+$0x3750];
	v8 =	vmul.f32 v8, v4;
	[tilespmem:s6+$0x3B60] =	vst v5  }
0xeb: {  	v13 =	vld [tilespmem:s6+$0x3740];
	[tilespmem:s6+$0x3B30] =	vst v10;
	v7 =	vmul.f32 v7, v4  }
0xec: {  	v10 =	vld [tilespmem:s6+$0x3B40];
	[tilespmem:s6+$0x3B50] =	vst v8;
	v6 =	vmul.f32 v6, v4  }
0xed: {  	v8 =	vld [tilespmem:s6+$0x3B20];
	[tilespmem:s6+$0x3720] =	vst v7;
	v7 =	vmul.f32 v11, v4  }
0xee: {  	v11 =	vld [tilespmem:s6+$0x3700];
	v12 =	vmul.f32 v12, v4;
	[tilespmem:s6+$0x3B10] =	vst v6  }
0xef: {  	v6 =	vld [tilespmem:s6+$0x3730];
	[tilespmem:s6+$0x3760] =	vst v7;
	v9 =	vmul.f32 v9, v4  }
0xf0: {  	v13 =	vmul.f32 v13, v4;
	v7 =	vld [tilespmem:s6+$0x3710];
	[tilespmem:s6+$0x3B00] =	vst v12  }
0xf1: {  	v10 =	vmul.f32 v10, v4;
	[tilespmem:s6+$0x3750] =	vst v9;
	v9 =	vld [tilespmem:s6+$0x3770]  }
0xf2: {  	[tilespmem:s6+$0x3740] =	vst v13;
	v8 =	vmul.f32 v8, v4  }
0xf3: {  	v11 =	vmul.f32 v4, v11;
	[tilespmem:s6+$0x3B40] =	vst v10  }
0xf4: {  	[tilespmem:s6+$0x3B20] =	vst v8;
	v6 =	vmul.f32 v6, v4  }
0xf5: {  	v7 =	vmul.f32 v7, v4;
	[tilespmem:s6+$0x3700] =	vst v11  }
0xf6: {  	[tilespmem:s6+$0x3730] =	vst v6;
	v4 =	vmul.f32 v9, v4  }
0xf7: {  	[tilespmem:s6+$0x3710] =	vst v7  }
0xf8: {  	[tilespmem:s6+$0x3770] =	vst v4  }
0xf9: {  	v4 =	vld [tilespmem:$0x3600];
	_ =	sdelay $0x4  }
0xfa: {  	v5 =	vshll.u32 v4, $0x1  }
0xfb: {  	v4 =	vand.u32 $0x7, v4;
	v5 =	vand.u32 $0xFFFFFFF0, v5  }
0xfc: {  	v4 =	vor.u32 v4, v5  }
0xfd: {  	v5 =	vperm.xlane v4, v1;
	_ =	sdelay $0x1  }
0xfe: {  	v4 =	vperm.xlane v4, v3;
	v5 =	vadd.s32 v2, v5;
	_ =	sdelay $0x1  }
0xff: {  	v4 =	vadd.s32 v2, v4;
	_ =	sdelay $0x1  }
0x100: {  	s7 =	simm.s32 $0x0;
	s0 =	simm.s32 $0x3700  }
0x101: {  	[hbm4b:s3+s7] =	stream.indirect_vreg.scatter [tilespmem:s0], [sflag:$0x3], $0x80, v5, vm3, $0xb8;
	[tilespmem:$0xB800] =	vst v63  }
0x102: {  	_ = 	snop  }
0x103: {  	[hbm4b:s3+s7] =	stream.indirect_vreg.scatter [tilespmem:s13], [sflag:$0x3], $0x80, v4, vm3, $0xb8;
	[tilespmem:$0xB800] =	vst v63  }
0x104: {  	v4 =	vld [tilespmem:$0x3610];
	_ =	sdelay $0x4  }
0x105: {  	v5 =	vshll.u32 v4, $0x1  }
0x106: {  	v4 =	vand.u32 $0x7, v4;
	v5 =	vand.u32 $0xFFFFFFF0, v5  }
0x107: {  	v4 =	vor.u32 v4, v5  }
0x108: {  	v5 =	vperm.xlane v4, v1;
	_ =	sdelay $0x1  }
0x109: {  	v4 =	vperm.xlane v4, v3;
	v5 =	vadd.s32 v2, v5;
	_ =	sdelay $0x1  }
0x10a: {  	v4 =	vadd.s32 v2, v4;
	_ =	sdelay $0x2  }
0x10b: {  	[hbm4b:s3+s7] =	stream.indirect_vreg.scatter [tilespmem:s14], [sflag:$0x3], $0x80, v5, vm3, $0xb8;
	[tilespmem:$0xB800] =	vst v63  }
0x10c: {  	_ = 	snop  }
0x10d: {  	[hbm4b:s3+s7] =	stream.indirect_vreg.scatter [tilespmem:s15], [sflag:$0x3], $0x80, v4, vm3, $0xb8;
	[tilespmem:$0xB800] =	vst v63  }
0x10e: {  	v4 =	vld [tilespmem:$0x3620];
	_ =	sdelay $0x4  }
0x10f: {  	v5 =	vshll.u32 v4, $0x1  }
0x110: {  	v4 =	vand.u32 $0x7, v4;
	v5 =	vand.u32 $0xFFFFFFF0, v5  }
0x111: {  	v4 =	vor.u32 v4, v5  }
0x112: {  	v5 =	vperm.xlane v4, v1;
	_ =	sdelay $0x1  }
0x113: {  	v4 =	vperm.xlane v4, v3;
	v5 =	vadd.s32 v2, v5;
	_ =	sdelay $0x1  }
0x114: {  	v4 =	vadd.s32 v2, v4;
	_ =	sdelay $0x2  }
0x115: {  	[hbm4b:s3+s7] =	stream.indirect_vreg.scatter [tilespmem:s16], [sflag:$0x3], $0x80, v5, vm3, $0xb8;
	[tilespmem:$0xB800] =	vst v63  }
0x116: {  	_ = 	snop  }
0x117: {  	[hbm4b:s3+s7] =	stream.indirect_vreg.scatter [tilespmem:s17], [sflag:$0x3], $0x80, v4, vm3, $0xb8;
	[tilespmem:$0xB800] =	vst v63  }
0x118: {  	v4 =	vld [tilespmem:$0x3630];
	_ =	sdelay $0x4  }
0x119: {  	v5 =	vshll.u32 v4, $0x1  }
0x11a: {  	v4 =	vand.u32 $0x7, v4;
	v5 =	vand.u32 $0xFFFFFFF0, v5  }
0x11b: {  	v4 =	vor.u32 v4, v5  }
0x11c: {  	v5 =	vperm.xlane v4, v1;
	_ =	sdelay $0x1  }
0x11d: {  	v4 =	vperm.xlane v4, v3;
	v5 =	vadd.s32 v2, v5;
	_ =	sdelay $0x1  }
0x11e: {  	v4 =	vadd.s32 v2, v4;
	_ =	sdelay $0x2  }
0x11f: {  	[hbm4b:s3+s7] =	stream.indirect_vreg.scatter [tilespmem:s18], [sflag:$0x3], $0x80, v5, vm3, $0xb8;
	[tilespmem:$0xB800] =	vst v63  }
0x120: {  	_ = 	snop  }
0x121: {  	[hbm4b:s3+s7] =	stream.indirect_vreg.scatter [tilespmem:s19], [sflag:$0x3], $0x80, v4, vm3, $0xb8;
	[tilespmem:$0xB800] =	vst v63  }
0x122: {  	_ =	swait.ge [sflag:s29], $0x4000  }
0x123: {  	s10 =	sand.u32 $0x3800, s7;
	s12 =	sand.u32 $0x380, s7;
	[sflag:s29] =	ssyncset.done $0x0  }
0x124: {  	s6 =	sor.u32 s12, s10;
	[sflag:s29] =	ssyncadd.s32 $0xFFFFC000  }
0x125: {  	s8 =	simm.s32 $0x7780;
	v9 =	vld [tilespmem:s6+$0x7C70]  }
0x126: {  	v4 =	vld.msk [tilespmem:s8+$0x0 ss:$0x0], $0xffff  }
0x127: {  	v5 =	vld [tilespmem:s6+$0x7C60]  }
0x128: {  	v10 =	vld [tilespmem:s6+$0x7C30]  }
0x129: {  	v8 =	vld [tilespmem:s6+$0x7C50]  }
0x12a: {  	v7 =	vld [tilespmem:s6+$0x7820]  }
0x12b: {  	s10 =	simm.s32 $0x100;
	v6 =	vld [tilespmem:s6+$0x7C10]  }
.LBB2_7:
0x12c: {  	p0 =	sne.s32 s10, $0x3F00;
	v11 =	vld [tilespmem:s6+$0x7860];
	v9 =	vmul.f32 v9, v4;
	s7 =	sadd.s32 $0x80, s7;
	s8 =	sadd.s32 $0x1, s8  }
0x12d: {  	s0 =	smov.u32 s10;
	s10 =	sadd.s32 $0x100, s10;
	v12 =	vld [tilespmem:s6+$0x7C00];
	v10 =	vmul.f32 v10, v4  }
0x12e: {  	v13 =	vld [tilespmem:s6+$0x7850];
	v8 =	vmul.f32 v8, v4;
	[tilespmem:s6+$0x7C70] =	vst v9  }
0x12f: {  	v7 =	vmul.f32 v7, v4;
	v9 =	vld [tilespmem:s6+$0x7840];
	[tilespmem:s6+$0x7C30] =	vst v10  }
0x130: {  	v6 =	vmul.f32 v6, v4;
	v10 =	vld [tilespmem:s6+$0x7C40];
	[tilespmem:s6+$0x7C50] =	vst v8  }
0x131: {  	[tilespmem:s6+$0x7820] =	vst v7;
	v7 =	vmul.f32 v11, v4;
	v8 =	vld [tilespmem:s6+$0x7C20]  }
0x132: {  	v11 =	vld [tilespmem:s6+$0x7800];
	v12 =	vmul.f32 v12, v4;
	[tilespmem:s6+$0x7C10] =	vst v6  }
0x133: {  	v6 =	vld [tilespmem:s6+$0x7810];
	v13 =	vmul.f32 v13, v4;
	[tilespmem:s6+$0x7860] =	vst v7  }
0x134: {  	v7 =	vld [tilespmem:s6+$0x7830];
	v9 =	vmul.f32 v9, v4;
	[tilespmem:s6+$0x7C00] =	vst v12  }
0x135: {  	[tilespmem:s6+$0x7850] =	vst v13;
	v12 =	vld [tilespmem:s6+$0x7870];
	v10 =	vmul.f32 v10, v4  }
0x136: {  	[tilespmem:s6+$0x7840] =	vst v9;
	v8 =	vmul.f32 v8, v4  }
0x137: {  	v9 =	vmul.f32 v4, v11;
	[tilespmem:s6+$0x7C40] =	vst v10  }
0x138: {  	v6 =	vmul.f32 v6, v4;
	[tilespmem:s6+$0x7C20] =	vst v8  }
0x139: {  	[tilespmem:s6+$0x7800] =	vst v9;
	v7 =	vmul.f32 v7, v4  }
0x13a: {  	[tilespmem:s6+$0x7810] =	vst v6;
	v6 =	vmul.f32 v12, v4;
	v4 =	vmul.f32 v5, v4  }
0x13b: {  	s0 =	sand.u32 $0x3800, s0;
	s12 =	sand.u32 $0x380, s7;
	[tilespmem:s6+$0x7830] =	vst v7  }
0x13c: {  	s0 =	sor.u32 s12, s0;
	[tilespmem:s6+$0x7C60] =	vst v4  }
0x13d: {  	v9 =	vld [tilespmem:s0+$0x7C70];
	[tilespmem:s6+$0x7870] =	vst v6;
	s6 =	smov.u32 s0  }
0x13e: {  	v4 =	vld.msk [tilespmem:s8+$0x0 ss:$0x0], $0xffff  }
.Ltmp5:
0x13f: {  	v5 =	vld [tilespmem:s6+$0x7C60];
	(pc) =	sbr.rel @p0 .LBB2_7-.Ltmp5, $4  }
0x140: {  	v10 =	vld [tilespmem:s6+$0x7C30]  }
0x141: {  	v8 =	vld [tilespmem:s6+$0x7C50]  }
0x142: {  	v7 =	vld [tilespmem:s6+$0x7820]  }
0x143: {  	v6 =	vld [tilespmem:s6+$0x7C10]  }
0x144: {  	v9 =	vmul.f32 v9, v4  }
0x145: {  	v11 =	vld [tilespmem:s6+$0x7860];
	v5 =	vmul.f32 v5, v4  }
0x146: {  	v56 =	vld [tilespmem:s6+$0x7850];
	v10 =	vmul.f32 v10, v4;
	[tilespmem:s6+$0x7C70] =	vst v9  }
0x147: {  	v12 =	vld [tilespmem:s6+$0x7C00];
	v8 =	vmul.f32 v8, v4;
	[tilespmem:s6+$0x7C60] =	vst v5  }
0x148: {  	v13 =	vld [tilespmem:s6+$0x7840];
	[tilespmem:s6+$0x7C30] =	vst v10;
	v7 =	vmul.f32 v7, v4  }
0x149: {  	v57 =	vld [tilespmem:s6+$0x7C40];
	[tilespmem:s6+$0x7C50] =	vst v8;
	v6 =	vmul.f32 v6, v4  }
0x14a: {  	v59 =	vld [tilespmem:s6+$0x7C20];
	[tilespmem:s6+$0x7820] =	vst v7;
	v58 =	vmul.f32 v11, v4  }
0x14b: {  	v60 =	vld [tilespmem:s6+$0x7800];
	v9 =	vmul.f32 v56, v4;
	[tilespmem:s6+$0x7C10] =	vst v6  }
0x14c: {  	v61 =	vld [tilespmem:s6+$0x7810];
	v12 =	vmul.f32 v12, v4;
	[tilespmem:s6+$0x7860] =	vst v58  }
0x14d: {  	v62 =	vld [tilespmem:s6+$0x7830];
	v13 =	vmul.f32 v13, v4;
	[tilespmem:s6+$0x7850] =	vst v9  }
0x14e: {  	v63 =	vld [tilespmem:s6+$0x7870];
	v10 =	vmul.f32 v57, v4;
	[tilespmem:s6+$0x7C00] =	vst v12  }
0x14f: {  	v8 =	vmul.f32 v59, v4;
	[tilespmem:s6+$0x7840] =	vst v13  }
0x150: {  	v11 =	vmul.f32 v4, v60;
	[tilespmem:s6+$0x7C40] =	vst v10  }
0x151: {  	v7 =	vmul.f32 v61, v4;
	[tilespmem:s6+$0x7C20] =	vst v8  }
0x152: {  	v6 =	vmul.f32 v62, v4;
	[tilespmem:s6+$0x7800] =	vst v11  }
0x153: {  	v4 =	vmul.f32 v63, v4;
	[tilespmem:s6+$0x7810] =	vst v7  }
0x154: {  	[tilespmem:s6+$0x7830] =	vst v6  }
0x155: {  	[tilespmem:s6+$0x7870] =	vst v4  }
0x156: {  	v4 =	vld [tilespmem:$0x7700];
	_ =	sdelay $0x4  }
0x157: {  	v5 =	vshll.u32 v4, $0x1  }
0x158: {  	v4 =	vand.u32 $0x7, v4;
	v5 =	vand.u32 $0xFFFFFFF0, v5  }
0x159: {  	v4 =	vor.u32 v4, v5  }
0x15a: {  	v5 =	vperm.xlane v4, v1;
	_ =	sdelay $0x1  }
0x15b: {  	v4 =	vperm.xlane v4, v3;
	v5 =	vadd.s32 v2, v5;
	_ =	sdelay $0x1  }
0x15c: {  	v4 =	vadd.s32 v2, v4;
	_ =	sdelay $0x2  }
0x15d: {  	[hbm4b:s3+s4] =	stream.indirect_vreg.scatter [tilespmem:s20], [sflag:$0x4], $0x80, v5, vm3, $0xb8;
	[tilespmem:$0xB800] =	vst v63  }
0x15e: {  	_ = 	snop  }
0x15f: {  	[hbm4b:s3+s4] =	stream.indirect_vreg.scatter [tilespmem:s21], [sflag:$0x4], $0x80, v4, vm3, $0xb8;
	[tilespmem:$0xB800] =	vst v63  }
0x160: {  	v4 =	vld [tilespmem:$0x7710];
	_ =	sdelay $0x4  }
0x161: {  	v5 =	vshll.u32 v4, $0x1  }
0x162: {  	v4 =	vand.u32 $0x7, v4;
	v5 =	vand.u32 $0xFFFFFFF0, v5  }
0x163: {  	v4 =	vor.u32 v4, v5  }
0x164: {  	v5 =	vperm.xlane v4, v1;
	_ =	sdelay $0x1  }
0x165: {  	v4 =	vperm.xlane v4, v3;
	v5 =	vadd.s32 v2, v5;
	_ =	sdelay $0x1  }
0x166: {  	v4 =	vadd.s32 v2, v4;
	_ =	sdelay $0x2  }
0x167: {  	[hbm4b:s3+s4] =	stream.indirect_vreg.scatter [tilespmem:s22], [sflag:$0x4], $0x80, v5, vm3, $0xb8;
	[tilespmem:$0xB800] =	vst v63  }
0x168: {  	_ = 	snop  }
0x169: {  	[hbm4b:s3+s4] =	stream.indirect_vreg.scatter [tilespmem:s23], [sflag:$0x4], $0x80, v4, vm3, $0xb8;
	[tilespmem:$0xB800] =	vst v63  }
0x16a: {  	v4 =	vld [tilespmem:$0x7720];
	_ =	sdelay $0x4  }
0x16b: {  	v5 =	vshll.u32 v4, $0x1  }
0x16c: {  	v4 =	vand.u32 $0x7, v4;
	v5 =	vand.u32 $0xFFFFFFF0, v5  }
0x16d: {  	v4 =	vor.u32 v4, v5  }
0x16e: {  	v5 =	vperm.xlane v4, v1;
	_ =	sdelay $0x1  }
0x16f: {  	v4 =	vperm.xlane v4, v3;
	v5 =	vadd.s32 v2, v5;
	_ =	sdelay $0x1  }
0x170: {  	v4 =	vadd.s32 v2, v4;
	_ =	sdelay $0x2  }
0x171: {  	[hbm4b:s3+s4] =	stream.indirect_vreg.scatter [tilespmem:s24], [sflag:$0x4], $0x80, v5, vm3, $0xb8;
	[tilespmem:$0xB800] =	vst v63  }
0x172: {  	_ = 	snop  }
0x173: {  	[hbm4b:s3+s4] =	stream.indirect_vreg.scatter [tilespmem:s25], [sflag:$0x4], $0x80, v4, vm3, $0xb8;
	[tilespmem:$0xB800] =	vst v63  }
0x174: {  	v4 =	vld [tilespmem:$0x7730];
	_ =	sdelay $0x4  }
0x175: {  	v5 =	vshll.u32 v4, $0x1  }
0x176: {  	v4 =	vand.u32 $0x7, v4;
	v5 =	vand.u32 $0xFFFFFFF0, v5  }
0x177: {  	v4 =	vor.u32 v4, v5  }
0x178: {  	v5 =	vperm.xlane v4, v1;
	_ =	sdelay $0x1  }
0x179: {  	v4 =	vperm.xlane v4, v3;
	v5 =	vadd.s32 v2, v5;
	_ =	sdelay $0x1  }
0x17a: {  	v4 =	vadd.s32 v2, v4;
	_ =	sdelay $0x2  }
0x17b: {  	[hbm4b:s3+s4] =	stream.indirect_vreg.scatter [tilespmem:s26], [sflag:$0x4], $0x80, v5, vm3, $0xb8;
	[tilespmem:$0xB800] =	vst v63  }
0x17c: {  	s5 =	sadd.s32 $0x1, s5  }
0x17d: {  	[hbm4b:s3+s4] =	stream.indirect_vreg.scatter [tilespmem:s28], [sflag:$0x4], $0x80, v4, vm3, $0xb8;
	[tilespmem:$0xB800] =	vst v63  }
0x17e: {  	p0 =	sne.s32 s5, s2;
	_ =	swait.ge [sflag:s30], $0x4000  }
.Ltmp6:
0x17f: {  	[sflag:s30] =	ssyncset.done $0x0;
	(pc) =	sbr.rel @p0 .LBB2_4-.Ltmp6, $4  }
.Ltmp7:
0x180: {  	[sflag:s30] =	ssyncadd.s32 $0xFFFFC000;
	(pc) =	sbr.rel @!p0 .LBB2_9-.Ltmp7, $4  }
0x181: {  	_ =	swait.ge [sflag:s31], $0x4000  }
0x182: {  	[sflag:s31] =	ssyncset.done $0x0  }
0x183: {  	[sflag:s31] =	ssyncadd.s32 $0xFFFFC000  }
0x184: {  	_ = 	snop  }
.LBB2_10:
0x185: {  	_ =	sfence.sel $0x180000  }
0x186: {  	[bflag:$0x0] =	sbarrier.arrive $0xFFFF  }
0x187: {  	_ =	strace $0x90000047  }
0x188: {  	s0 =	stileid.u32;
	[bflag:$0x2] =	sbarrier.arrive $0xFFFF  }
0x189: {  	p0 =	sne.s32 s0, $0x0;
	s0 =	rddreg [dreg:$0x3]  }
0x18a: {  	s0 =	sadd.s32 @!p0 $0x100000, s0  }
0x18b: {  	[sflag:s0] =	ssyncadd.tile.s32 @!p0 $0x1;
	_ =	shalt  }
.Lfunc_end2:
_tile_overlayer_lowered:
.L_overlay_start_2:
0x18c: {  	(tag) =	ssettag $0x2  }
0x18d: {  	s0 =	rddreg [dreg:$0x0];
	s2 =	stileid.u32  }
0x18e: {  	s1 =	rddreg [dreg:$0x1];
	p0 =	sne.s32 s2, $0x0  }
0x18f: {  	s3 =	rddreg [dreg:$0x2];
	[bflag:$0x3] =	sbarrier.arrive $0xFFFF;
	s2 =	simm.s32 @!p0 $0x1C05  }
0x190: {  	[timem:s3], [sflag:s2] =	dma.local @!p0 [hbm:s0], s1  }
0x191: {  	s0 =	simm.s32 @!p0 $0x5  }
0x192: {  	_ =	swait.ge @!p0 [sflag:s0], s1  }
0x193: {  	s1 =	ssub.s32 @!p0 $0x0, s1;
	[sflag:s0] =	ssyncset.done @!p0 $0x0  }
0x194: {  	[sflag:s0] =	ssyncadd.s32 @!p0 s1  }
0x195: {  	[bflag:$0x3] =	sbarrier.arrive $0xFFFF  }
0x196: {  	_ =	shalt  }

</sc_bundles>
